<compile_context>
chip_gen: v7x
topology: tpu7x:2x2x1
jax: 0.10.2.dev20260603
libtpu: 0.0.44.dev20260713+nightly
codegen_flags: <defaults>
</compile_context>

<pallas_src>
import functools

import jax
import jax.numpy as jnp
from jax import lax
from jax.experimental import pallas as pl
from jax.experimental.pallas import tpu as pltpu
from jax.experimental.pallas import tpu_sc as plsc

NUM_CORES = 2
NUM_SUBCORES = 16
NUM_WORKERS = NUM_CORES * NUM_SUBCORES

BLOCK_R = 128
CHUNK_B = 8
CHUNK_W = CHUNK_B * 512
CHUNK_R = CHUNK_B * 128


def _compute_groups(pbuf, tbuf, obuf, n_groups):

  def _group(i, _):
    base = ((i >> 3) << 9) + ((i & 7) << 4)
    px = pbuf[pl.ds(base, 16)]
    py = pbuf[pl.ds(base + 128, 16)]
    pw = pbuf[pl.ds(base + 256, 16)]
    ph = pbuf[pl.ds(base + 384, 16)]
    tx = tbuf[pl.ds(base, 16)]
    ty = tbuf[pl.ds(base + 128, 16)]
    tw = tbuf[pl.ds(base + 256, 16)]
    th = tbuf[pl.ds(base + 384, 16)]
    dx = jnp.minimum((pw + tw) * 0.5 - jnp.abs(px - tx), jnp.minimum(pw, tw))
    dy = jnp.minimum((ph + th) * 0.5 - jnp.abs(py - ty), jnp.minimum(ph, th))
    area_i = jnp.maximum(dx, 0.0) * jnp.maximum(dy, 0.0)
    area_u = pw * ph + tw * th - area_i
    iou = area_i / area_u
    obuf[pl.ds(i * 16, 16)] = 1.0 - iou * iou
    return 0

  lax.fori_loop(0, n_groups, _group, 0, unroll=4)


@functools.lru_cache(maxsize=None)
def _build(n_rows):
  assert n_rows % BLOCK_R == 0
  n_blocks = n_rows // BLOCK_R
  full = n_blocks // (NUM_WORKERS * CHUNK_B)
  per_w = full * CHUNK_B
  rem = n_blocks - per_w * NUM_WORKERS
  assert rem < NUM_WORKERS

  mesh = plsc.VectorSubcoreMesh(
      core_axis_name="c", subcore_axis_name="s",
      num_cores=NUM_CORES, num_subcores=NUM_SUBCORES)

  def body(pred_hbm, tgt_hbm, out_hbm,
           p0, p1, t0, t1, o0, o1, si0, si1, so0, so1):
    w = lax.axis_index("s") * NUM_CORES + lax.axis_index("c")
    b0 = w * per_w

    pbufs, tbufs, obufs = (p0, p1), (t0, t1), (o0, o1)
    sis, sos = (si0, si1), (so0, so1)

    def start_in(t, s):
      off = (b0 + t * CHUNK_B) * 512
      pltpu.async_copy(pred_hbm.at[pl.ds(off, CHUNK_W)], pbufs[s], sis[s])
      pltpu.async_copy(tgt_hbm.at[pl.ds(off, CHUNK_W)], tbufs[s], sis[s])

    def do_chunk(t, s):
      @pl.when(t + 1 < full)
      def _():
        start_in(t + 1, 1 - s)
      off = (b0 + t * CHUNK_B) * 512
      pltpu.make_async_copy(
          pred_hbm.at[pl.ds(off, CHUNK_W)], pbufs[s], sis[s]).wait()
      pltpu.make_async_copy(
          tgt_hbm.at[pl.ds(off, CHUNK_W)], tbufs[s], sis[s]).wait()
      @pl.when(t >= 2)
      def _():
        off2 = (b0 + (t - 2) * CHUNK_B) * 128
        pltpu.make_async_copy(
            obufs[s], out_hbm.at[pl.ds(off2, CHUNK_R)], sos[s]).wait()
      _compute_groups(pbufs[s], tbufs[s], obufs[s], CHUNK_R // 16)
      off3 = (b0 + t * CHUNK_B) * 128
      pltpu.async_copy(obufs[s], out_hbm.at[pl.ds(off3, CHUNK_R)], sos[s])

    if full > 0:
      start_in(0, 0)

      def loop_body(t, _):
        @pl.when(t % 2 == 0)
        def _():
          do_chunk(t, 0)

        @pl.when(t % 2 == 1)
        def _():
          do_chunk(t, 1)
        return 0

      lax.fori_loop(0, full, loop_body, 0)
      for tt in range(max(full - 2, 0), full):
        s = tt % 2
        off = (b0 + tt * CHUNK_B) * 128
        pltpu.make_async_copy(
            obufs[s], out_hbm.at[pl.ds(off, CHUNK_R)], sos[s]).wait()

    if rem:
      @pl.when(w < rem)
      def _():
        blk = per_w * NUM_WORKERS + w
        pltpu.sync_copy(pred_hbm.at[pl.ds(blk * 512, 512)], p0.at[pl.ds(0, 512)])
        pltpu.sync_copy(tgt_hbm.at[pl.ds(blk * 512, 512)], t0.at[pl.ds(0, 512)])
        _compute_groups(p0, t0, o0, BLOCK_R // 16)
        pltpu.sync_copy(o0.at[pl.ds(0, 128)], out_hbm.at[pl.ds(blk * 128, 128)])

  f32 = jnp.float32
  return pl.kernel(
      body,
      out_type=jax.ShapeDtypeStruct((n_rows,), f32),
      mesh=mesh,
      compiler_params=pltpu.CompilerParams(needs_layout_passes=False),
      scratch_types=[
          pltpu.VMEM((CHUNK_W,), f32), pltpu.VMEM((CHUNK_W,), f32),
          pltpu.VMEM((CHUNK_W,), f32), pltpu.VMEM((CHUNK_W,), f32),
          pltpu.VMEM((CHUNK_R,), f32), pltpu.VMEM((CHUNK_R,), f32),
          pltpu.SemaphoreType.DMA, pltpu.SemaphoreType.DMA,
          pltpu.SemaphoreType.DMA, pltpu.SemaphoreType.DMA,
      ],
  )


def _to_physical(x, n_rows):
  return x.reshape(n_rows // BLOCK_R, BLOCK_R, 4).transpose(0, 2, 1).reshape(-1)


def kernel(pred, target):
  pred = pred.reshape(-1, 4)
  target = target.reshape(-1, 4)
  n_rows = pred.shape[0]
  fn = _build(n_rows)
  return fn(_to_physical(pred, n_rows), _to_physical(target, n_rows))

# --- scband reference (transcript-rebuilt; emitter-appended) ---
"""Pipeline reference for scband-yoloxloss-6073083756634 (READ-ONLY COPY).

The authoritative reference and input builder live on the scoring server;
editing this copy changes nothing except your own understanding.
"""

import jax, jax.numpy as jnp
import numpy as np

N = 4000000

def setup_inputs(seed: int = 0) -> dict:
    key = jax.random.key(seed)
    k1, k2 = jax.random.split(key)
    scale = jnp.array([512.0, 512.0, 64.0, 64.0], dtype=jnp.float32)
    pred = jax.random.uniform(k1, (N, 4), dtype=jnp.float32) * scale + jnp.array([0.0, 0.0, 1.0, 1.0], dtype=jnp.float32)
    target = jax.random.uniform(k2, (N, 4), dtype=jnp.float32) * scale + jnp.array([0.0, 0.0, 1.0, 1.0], dtype=jnp.float32)
    return {"pred": pred, "target": target}

def reference(pred, target):
    # Faithful translation of IOUloss.forward with loss_type='iou', reduction='none'
    pred = pred.reshape(-1, 4)
    target = target.reshape(-1, 4)
    tl = jnp.maximum(pred[:, :2] - pred[:, 2:] / 2, target[:, :2] - target[:, 2:] / 2)
    br = jnp.minimum(pred[:, :2] + pred[:, 2:] / 2, target[:, :2] + target[:, 2:] / 2)
    area_p = jnp.prod(pred[:, 2:], axis=1)
    area_g = jnp.prod(target[:, 2:], axis=1)
    en = jnp.prod((tl < br).astype(pred.dtype), axis=1)
    area_i = jnp.prod(br - tl, axis=1) * en
    area_u = area_p + area_g - area_i
    iou = area_i / (area_u + 1e-16)
    loss = 1.0 - iou ** 2
    return loss

if __name__ == "__main__":
    import jax
    _d = setup_inputs()
    print(jax.jit(kernel)(*tuple(_d.values())))

</pallas_src>

<mosaic_0001>
#map = affine_map<(d0, d1) -> (0)>
module attributes {stable_mosaic.version = 14 : i64} {
  func.func @body(%arg0: i32, %arg1: i32, %arg2: memref<16000000xf32, #tpu.memory_space<hbm>>, %arg3: memref<16000000xf32, #tpu.memory_space<hbm>>, %arg4: memref<4000000xf32, #tpu.memory_space<hbm>>, %arg5: memref<4096xf32, #tpu.memory_space<vmem>>, %arg6: memref<4096xf32, #tpu.memory_space<vmem>>, %arg7: memref<4096xf32, #tpu.memory_space<vmem>>, %arg8: memref<4096xf32, #tpu.memory_space<vmem>>, %arg9: memref<1024xf32, #tpu.memory_space<vmem>>, %arg10: memref<1024xf32, #tpu.memory_space<vmem>>, %arg11: memref<!tpu.dma_semaphore, #tpu.memory_space<semaphore_mem>>, %arg12: memref<!tpu.dma_semaphore, #tpu.memory_space<semaphore_mem>>, %arg13: memref<!tpu.dma_semaphore, #tpu.memory_space<semaphore_mem>>, %arg14: memref<!tpu.dma_semaphore, #tpu.memory_space<semaphore_mem>>) attributes {dimension_semantics = [#tpu.dimension_semantics<core_parallel>, #tpu.dimension_semantics<subcore_parallel>], iteration_bounds = array<i64: 2, 16>, scalar_prefetch = 0 : i64, scratch_operands = 10 : i64, tpu.core_type = #tpu.core_type<sc_vector_subcore>, window_params = [{transform_indices = #map}, {transform_indices = #map}, {transform_indices = #map}]} {
    %mul3A = arith.constant 2 : i32
    %mul3A_0 = arith.muli %arg1, %mul3A : i32
    %add3A = arith.addi %mul3A_0, %arg0 : i32
    %mul3A_1 = arith.constant 976 : i32
    %mul3A_2 = arith.muli %add3A, %mul3A_1 : i32
    %add3A_3 = arith.constant 0 : i32
    %add3A_4 = arith.addi %mul3A_2, %add3A_3 : i32
    %mul3A_5 = arith.constant 512 : i32
    %mul3A_6 = arith.muli %add3A_4, %mul3A_5 : i32
    %dma_start3A = tpu.memref_slice %arg2[%mul3A_6] : memref<16000000xf32, #tpu.memory_space<hbm>> -> memref<4096xf32, #tpu.memory_space<hbm>>
    %dma_start3A_7 = tpu.memref_slice %arg2[%mul3A_6] : memref<16000000xf32, #tpu.memory_space<hbm>> -> memref<4096xf32, #tpu.memory_space<hbm>>
    tpu.enqueue_dma source(%dma_start3A_7 : memref<4096xf32, #tpu.memory_space<hbm>>) target(%arg5 : memref<4096xf32, #tpu.memory_space<vmem>>) target_semaphore(%arg11 : memref<!tpu.dma_semaphore, #tpu.memory_space<semaphore_mem>>)
    %dma_start3A_8 = tpu.memref_slice %arg3[%mul3A_6] : memref<16000000xf32, #tpu.memory_space<hbm>> -> memref<4096xf32, #tpu.memory_space<hbm>>
    %dma_start3A_9 = tpu.memref_slice %arg3[%mul3A_6] : memref<16000000xf32, #tpu.memory_space<hbm>> -> memref<4096xf32, #tpu.memory_space<hbm>>
    tpu.enqueue_dma source(%dma_start3A_9 : memref<4096xf32, #tpu.memory_space<hbm>>) target(%arg7 : memref<4096xf32, #tpu.memory_space<vmem>>) target_semaphore(%arg11 : memref<!tpu.dma_semaphore, #tpu.memory_space<semaphore_mem>>)
    %scan3A = arith.constant 0 : i32
    %scan3A_10 = arith.constant 0 : i32
    %scan3A_11 = arith.constant 122 : i32
    %scan3A_12 = arith.addi %scan3A_10, %scan3A_11 : i32
    %scan3A_13 = arith.constant 1 : i32
    %scan3A_14 = scf.for %scan3A_29 = %scan3A_10 to %scan3A_12 step %scan3A_13 iter_args(%scan3A_30 = %scan3A) -> (i32)  : i32 {
      %jit3A = arith.constant 2 : i32
      %eq3A = arith.constant 0 : i32
      %eq3A_31 = arith.cmpi eq, %jit3A, %eq3A : i32
      %jit3A_32 = arith.constant 1 : i32
      %select_n3A = arith.select %eq3A_31, %jit3A_32, %jit3A : i32
      %rem3A = arith.remsi %scan3A_29, %select_n3A : i32
      %ne3A = arith.constant 0 : i32
      %ne3A_33 = arith.cmpi ne, %rem3A, %ne3A : i32
      %lt3A_34 = arith.constant 0 : i32
      %lt3A_35 = arith.cmpi slt, %rem3A, %lt3A_34 : i32
      %lt3A_36 = arith.constant 0 : i32
      %lt3A_37 = arith.cmpi slt, %select_n3A, %lt3A_36 : i32
      %ne3A_38 = arith.xori %lt3A_35, %lt3A_37 : i1
      %and3A = arith.andi %ne3A_38, %ne3A_33 : i1
      %add3A_39 = arith.addi %rem3A, %select_n3A : i32
      %select_n3A_40 = arith.select %and3A, %add3A_39, %rem3A : i32
      %eq3A_41 = arith.constant 0 : i32
      %eq3A_42 = arith.cmpi eq, %select_n3A_40, %eq3A_41 : i32
      %convert_element_type3A_43 = arith.extui %eq3A_42 : i1 to i32
      %cond3A_44 = arith.constant 0 : i32
      %cond3A_45 = arith.cmpi ne, %convert_element_type3A_43, %cond3A_44 : i32
      scf.if %cond3A_45 {
        %add3A_68 = arith.constant 1 : i32
        %add3A_69 = arith.addi %scan3A_29, %add3A_68 : i32
        %lt3A_70 = arith.constant 122 : i32
        %lt3A_71 = arith.cmpi slt, %add3A_69, %lt3A_70 : i32
        %convert_element_type3A_72 = arith.extui %lt3A_71 : i1 to i32
        %cond3A_73 = arith.constant 0 : i32
        %cond3A_74 = arith.cmpi ne, %convert_element_type3A_72, %cond3A_73 : i32
        scf.if %cond3A_74 {
          %add3A_102 = arith.constant 1 : i32
          %add3A_103 = arith.addi %scan3A_29, %add3A_102 : i32
          %mul3A_104 = arith.constant 8 : i32
          %mul3A_105 = arith.muli %add3A_103, %mul3A_104 : i32
          %add3A_106 = arith.addi %mul3A_2, %mul3A_105 : i32
          %mul3A_107 = arith.constant 512 : i32
          %mul3A_108 = arith.muli %add3A_106, %mul3A_107 : i32
          %dma_start3A_109 = tpu.memref_slice %arg2[%mul3A_108] : memref<16000000xf32, #tpu.memory_space<hbm>> -> memref<4096xf32, #tpu.memory_space<hbm>>
          %dma_start3A_110 = tpu.memref_slice %arg2[%mul3A_108] : memref<16000000xf32, #tpu.memory_space<hbm>> -> memref<4096xf32, #tpu.memory_space<hbm>>
          tpu.enqueue_dma source(%dma_start3A_110 : memref<4096xf32, #tpu.memory_space<hbm>>) target(%arg6 : memref<4096xf32, #tpu.memory_space<vmem>>) target_semaphore(%arg12 : memref<!tpu.dma_semaphore, #tpu.memory_space<semaphore_mem>>)
          %dma_start3A_111 = tpu.memref_slice %arg3[%mul3A_108] : memref<16000000xf32, #tpu.memory_space<hbm>> -> memref<4096xf32, #tpu.memory_space<hbm>>
          %dma_start3A_112 = tpu.memref_slice %arg3[%mul3A_108] : memref<16000000xf32, #tpu.memory_space<hbm>> -> memref<4096xf32, #tpu.memory_space<hbm>>
          tpu.enqueue_dma source(%dma_start3A_112 : memref<4096xf32, #tpu.memory_space<hbm>>) target(%arg8 : memref<4096xf32, #tpu.memory_space<vmem>>) target_semaphore(%arg12 : memref<!tpu.dma_semaphore, #tpu.memory_space<semaphore_mem>>)
        } else {
        }
        %mul3A_75 = arith.constant 8 : i32
        %mul3A_76 = arith.muli %scan3A_29, %mul3A_75 : i32
        %add3A_77 = arith.addi %mul3A_2, %mul3A_76 : i32
        %mul3A_78 = arith.constant 512 : i32
        %mul3A_79 = arith.muli %add3A_77, %mul3A_78 : i32
        %dma_wait3A_80 = tpu.memref_slice %arg2[%mul3A_79] : memref<16000000xf32, #tpu.memory_space<hbm>> -> memref<4096xf32, #tpu.memory_space<hbm>>
        %dma_wait3A_81 = tpu.memref_slice %arg2[%mul3A_79] : memref<16000000xf32, #tpu.memory_space<hbm>> -> memref<4096xf32, #tpu.memory_space<hbm>>
        tpu.wait_dma2 semaphore(%arg11 : memref<!tpu.dma_semaphore, #tpu.memory_space<semaphore_mem>>) src(%dma_wait3A_81 : memref<4096xf32, #tpu.memory_space<hbm>>) dst(%arg5 : memref<4096xf32, #tpu.memory_space<vmem>>)
        %dma_wait3A_82 = tpu.memref_slice %arg3[%mul3A_79] : memref<16000000xf32, #tpu.memory_space<hbm>> -> memref<4096xf32, #tpu.memory_space<hbm>>
        %dma_wait3A_83 = tpu.memref_slice %arg3[%mul3A_79] : memref<16000000xf32, #tpu.memory_space<hbm>> -> memref<4096xf32, #tpu.memory_space<hbm>>
        tpu.wait_dma2 semaphore(%arg11 : memref<!tpu.dma_semaphore, #tpu.memory_space<semaphore_mem>>) src(%dma_wait3A_83 : memref<4096xf32, #tpu.memory_space<hbm>>) dst(%arg7 : memref<4096xf32, #tpu.memory_space<vmem>>)
        %ge3A = arith.constant 2 : i32
        %ge3A_84 = arith.cmpi sge, %scan3A_29, %ge3A : i32
        %convert_element_type3A_85 = arith.extui %ge3A_84 : i1 to i32
        %cond3A_86 = arith.constant 0 : i32
        %cond3A_87 = arith.cmpi ne, %convert_element_type3A_85, %cond3A_86 : i32
        scf.if %cond3A_87 {
          %sub3A = arith.constant 2 : i32
          %sub3A_102 = arith.subi %scan3A_29, %sub3A : i32
          %mul3A_103 = arith.constant 8 : i32
          %mul3A_104 = arith.muli %sub3A_102, %mul3A_103 : i32
          %add3A_105 = arith.addi %mul3A_2, %mul3A_104 : i32
          %mul3A_106 = arith.constant 128 : i32
          %mul3A_107 = arith.muli %add3A_105, %mul3A_106 : i32
          %dma_wait3A_108 = tpu.memref_slice %arg4[%mul3A_107] : memref<4000000xf32, #tpu.memory_space<hbm>> -> memref<1024xf32, #tpu.memory_space<hbm>>
          %dma_wait3A_109 = tpu.memref_slice %arg4[%mul3A_107] : memref<4000000xf32, #tpu.memory_space<hbm>> -> memref<1024xf32, #tpu.memory_space<hbm>>
          tpu.wait_dma2 semaphore(%arg13 : memref<!tpu.dma_semaphore, #tpu.memory_space<semaphore_mem>>) src(%arg9 : memref<1024xf32, #tpu.memory_space<vmem>>) dst(%dma_wait3A_109 : memref<1024xf32, #tpu.memory_space<hbm>>)
        } else {
        }
        %scan3A_88 = arith.constant 0 : i32
        %scan3A_89 = arith.constant 0 : i32
        %scan3A_90 = arith.constant 64 : i32
        %scan3A_91 = arith.addi %scan3A_89, %scan3A_90 : i32
        %scan3A_92 = arith.constant 4 : i32
        %scan3A_93 = scf.for %scan3A_102 = %scan3A_89 to %scan3A_91 step %scan3A_92 iter_args(%scan3A_103 = %scan3A_88) -> (i32)  : i32 {
          %shift_right_arithmetic3A = arith.constant 3 : i32
          %shift_right_arithmetic3A_104 = arith.shrsi %scan3A_102, %shift_right_arithmetic3A : i32
          %shift_left3A = arith.constant 9 : i32
          %shift_left3A_105 = arith.shli %shift_right_arithmetic3A_104, %shift_left3A : i32
          %and3A_106 = arith.constant 7 : i32
          %and3A_107 = arith.andi %scan3A_102, %and3A_106 : i32
          %shift_left3A_108 = arith.constant 4 : i32
          %shift_left3A_109 = arith.shli %and3A_107, %shift_left3A_108 : i32
          %add3A_110 = arith.addi %shift_left3A_105, %shift_left3A_109 : i32
          %get3A = arith.index_cast %add3A_110 : i32 to index
          %get3A_111 = tpu.vector_load %arg5[%get3A] {strides = array<i32>} : memref<4096xf32, #tpu.memory_space<vmem>>, vector<16xf32>,
          %add3A_112 = arith.constant 128 : i32
          %add3A_113 = arith.addi %add3A_110, %add3A_112 : i32
          %get3A_114 = arith.index_cast %add3A_113 : i32 to index
          %get3A_115 = tpu.vector_load %arg5[%get3A_114] {strides = array<i32>} : memref<4096xf32, #tpu.memory_space<vmem>>, vector<16xf32>,
          %add3A_116 = arith.constant 256 : i32
          %add3A_117 = arith.addi %add3A_110, %add3A_116 : i32
          %get3A_118 = arith.index_cast %add3A_117 : i32 to index
          %get3A_119 = tpu.vector_load %arg5[%get3A_118] {strides = array<i32>} : memref<4096xf32, #tpu.memory_space<vmem>>, vector<16xf32>,
          %add3A_120 = arith.constant 384 : i32
          %add3A_121 = arith.addi %add3A_110, %add3A_120 : i32
          %get3A_122 = arith.index_cast %add3A_121 : i32 to index
          %get3A_123 = tpu.vector_load %arg5[%get3A_122] {strides = array<i32>} : memref<4096xf32, #tpu.memory_space<vmem>>, vector<16xf32>,
          %get3A_124 = arith.index_cast %add3A_110 : i32 to index
          %get3A_125 = tpu.vector_load %arg7[%get3A_124] {strides = array<i32>} : memref<4096xf32, #tpu.memory_space<vmem>>, vector<16xf32>,
          %add3A_126 = arith.constant 128 : i32
          %add3A_127 = arith.addi %add3A_110, %add3A_126 : i32
          %get3A_128 = arith.index_cast %add3A_127 : i32 to index
          %get3A_129 = tpu.vector_load %arg7[%get3A_128] {strides = array<i32>} : memref<4096xf32, #tpu.memory_space<vmem>>, vector<16xf32>,
          %add3A_130 = arith.constant 256 : i32
          %add3A_131 = arith.addi %add3A_110, %add3A_130 : i32
          %get3A_132 = arith.index_cast %add3A_131 : i32 to index
          %get3A_133 = tpu.vector_load %arg7[%get3A_132] {strides = array<i32>} : memref<4096xf32, #tpu.memory_space<vmem>>, vector<16xf32>,
          %add3A_134 = arith.constant 384 : i32
          %add3A_135 = arith.addi %add3A_110, %add3A_134 : i32
          %get3A_136 = arith.index_cast %add3A_135 : i32 to index
          %get3A_137 = tpu.vector_load %arg7[%get3A_136] {strides = array<i32>} : memref<4096xf32, #tpu.memory_space<vmem>>, vector<16xf32>,
          %add3A_138 = arith.addf %get3A_119, %get3A_133 : vector<16xf32>
          %mul3A_139 = arith.constant 5.000000e-01 : f32
          %mul3A_140 = vector.broadcast %mul3A_139 : f32 to vector<16xf32>
          %mul3A_141 = arith.mulf %add3A_138, %mul3A_140 : vector<16xf32>
          %sub3A = arith.subf %get3A_111, %get3A_125 : vector<16xf32>
          %abs3A = math.absf %sub3A : vector<16xf32>
          %sub3A_142 = arith.subf %mul3A_141, %abs3A : vector<16xf32>
          %min3A = arith.minimumf %get3A_119, %get3A_133 : vector<16xf32>
          %min3A_143 = arith.minimumf %sub3A_142, %min3A : vector<16xf32>
          %add3A_144 = arith.addf %get3A_123, %get3A_137 : vector<16xf32>
          %mul3A_145 = arith.constant 5.000000e-01 : f32
          %mul3A_146 = vector.broadcast %mul3A_145 : f32 to vector<16xf32>
          %mul3A_147 = arith.mulf %add3A_144, %mul3A_146 : vector<16xf32>
          %sub3A_148 = arith.subf %get3A_115, %get3A_129 : vector<16xf32>
          %abs3A_149 = math.absf %sub3A_148 : vector<16xf32>
          %sub3A_150 = arith.subf %mul3A_147, %abs3A_149 : vector<16xf32>
          %min3A_151 = arith.minimumf %get3A_123, %get3A_137 : vector<16xf32>
          %min3A_152 = arith.minimumf %sub3A_150, %min3A_151 : vector<16xf32>
          %max3A = arith.constant 0.000000e+00 : f32
          %max3A_153 = vector.broadcast %max3A : f32 to vector<16xf32>
          %max3A_154 = arith.maximumf %min3A_143, %max3A_153 : vector<16xf32>
          %max3A_155 = arith.constant 0.000000e+00 : f32
          %max3A_156 = vector.broadcast %max3A_155 : f32 to vector<16xf32>
          %max3A_157 = arith.maximumf %min3A_152, %max3A_156 : vector<16xf32>
          %mul3A_158 = arith.mulf %max3A_154, %max3A_157 : vector<16xf32>
          %mul3A_159 = arith.mulf %get3A_119, %get3A_123 : vector<16xf32>
          %mul3A_160 = arith.mulf %get3A_133, %get3A_137 : vector<16xf32>
          %add3A_161 = arith.addf %mul3A_159, %mul3A_160 : vector<16xf32>
          %sub3A_162 = arith.subf %add3A_161, %mul3A_158 : vector<16xf32>
          %div3A = arith.divf %mul3A_158, %sub3A_162 : vector<16xf32>
          %mul3A_163 = arith.mulf %div3A, %div3A : vector<16xf32>
          %sub3A_164 = arith.constant 1.000000e+00 : f32
          %sub3A_165 = vector.broadcast %sub3A_164 : f32 to vector<16xf32>
          %sub3A_166 = arith.subf %sub3A_165, %mul3A_163 : vector<16xf32>
          %mul3A_167 = arith.constant 16 : i32
          %mul3A_168 = arith.muli %scan3A_102, %mul3A_167 : i32
          %swap3A = arith.index_cast %mul3A_168 : i32 to index
          %swap3A_169 = tpu.vector_load %arg9[%swap3A] {strides = array<i32>} : memref<1024xf32, #tpu.memory_space<vmem>>, vector<16xf32>,
          tpu.vector_store %arg9[%swap3A], %sub3A_166 {strides = array<i32>} : memref<1024xf32, #tpu.memory_space<vmem>>, vector<16xf32>,
          %scan3A_170 = arith.constant 0 : i32
          %scan3A_171 = arith.constant 1 : i32
          %scan3A_172 = arith.addi %scan3A_102, %scan3A_171 : i32
          %shift_right_arithmetic3A_173 = arith.constant 3 : i32
          %shift_right_arithmetic3A_174 = arith.shrsi %scan3A_172, %shift_right_arithmetic3A_173 : i32
          %shift_left3A_175 = arith.constant 9 : i32
          %shift_left3A_176 = arith.shli %shift_right_arithmetic3A_174, %shift_left3A_175 : i32
          %and3A_177 = arith.constant 7 : i32
          %and3A_178 = arith.andi %scan3A_172, %and3A_177 : i32
          %shift_left3A_179 = arith.constant 4 : i32
          %shift_left3A_180 = arith.shli %and3A_178, %shift_left3A_179 : i32
          %add3A_181 = arith.addi %shift_left3A_176, %shift_left3A_180 : i32
          %get3A_182 = arith.index_cast %add3A_181 : i32 to index
          %get3A_183 = tpu.vector_load %arg5[%get3A_182] {strides = array<i32>} : memref<4096xf32, #tpu.memory_space<vmem>>, vector<16xf32>,
          %add3A_184 = arith.constant 128 : i32
          %add3A_185 = arith.addi %add3A_181, %add3A_184 : i32
          %get3A_186 = arith.index_cast %add3A_185 : i32 to index
          %get3A_187 = tpu.vector_load %arg5[%get3A_186] {strides = array<i32>} : memref<4096xf32, #tpu.memory_space<vmem>>, vector<16xf32>,
          %add3A_188 = arith.constant 256 : i32
          %add3A_189 = arith.addi %add3A_181, %add3A_188 : i32
          %get3A_190 = arith.index_cast %add3A_189 : i32 to index
          %get3A_191 = tpu.vector_load %arg5[%get3A_190] {strides = array<i32>} : memref<4096xf32, #tpu.memory_space<vmem>>, vector<16xf32>,
          %add3A_192 = arith.constant 384 : i32
          %add3A_193 = arith.addi %add3A_181, %add3A_192 : i32
          %get3A_194 = arith.index_cast %add3A_193 : i32 to index
          %get3A_195 = tpu.vector_load %arg5[%get3A_194] {strides = array<i32>} : memref<4096xf32, #tpu.memory_space<vmem>>, vector<16xf32>,
          %get3A_196 = arith.index_cast %add3A_181 : i32 to index
          %get3A_197 = tpu.vector_load %arg7[%get3A_196] {strides = array<i32>} : memref<4096xf32, #tpu.memory_space<vmem>>, vector<16xf32>,
          %add3A_198 = arith.constant 128 : i32
          %add3A_199 = arith.addi %add3A_181, %add3A_198 : i32
          %get3A_200 = arith.index_cast %add3A_199 : i32 to index
          %get3A_201 = tpu.vector_load %arg7[%get3A_200] {strides = array<i32>} : memref<4096xf32, #tpu.memory_space<vmem>>, vector<16xf32>,
          %add3A_202 = arith.constant 256 : i32
          %add3A_203 = arith.addi %add3A_181, %add3A_202 : i32
          %get3A_204 = arith.index_cast %add3A_203 : i32 to index
          %get3A_205 = tpu.vector_load %arg7[%get3A_204] {strides = array<i32>} : memref<4096xf32, #tpu.memory_space<vmem>>, vector<16xf32>,
          %add3A_206 = arith.constant 384 : i32
          %add3A_207 = arith.addi %add3A_181, %add3A_206 : i32
          %get3A_208 = arith.index_cast %add3A_207 : i32 to index
          %get3A_209 = tpu.vector_load %arg7[%get3A_208] {strides = array<i32>} : memref<4096xf32, #tpu.memory_space<vmem>>, vector<16xf32>,
          %add3A_210 = arith.addf %get3A_191, %get3A_205 : vector<16xf32>
          %mul3A_211 = arith.constant 5.000000e-01 : f32
          %mul3A_212 = vector.broadcast %mul3A_211 : f32 to vector<16xf32>
          %mul3A_213 = arith.mulf %add3A_210, %mul3A_212 : vector<16xf32>
          %sub3A_214 = arith.subf %get3A_183, %get3A_197 : vector<16xf32>
          %abs3A_215 = math.absf %sub3A_214 : vector<16xf32>
          %sub3A_216 = arith.subf %mul3A_213, %abs3A_215 : vector<16xf32>
          %min3A_217 = arith.minimumf %get3A_191, %get3A_205 : vector<16xf32>
          %min3A_218 = arith.minimumf %sub3A_216, %min3A_217 : vector<16xf32>
          %add3A_219 = arith.addf %get3A_195, %get3A_209 : vector<16xf32>
          %mul3A_220 = arith.constant 5.000000e-01 : f32
          %mul3A_221 = vector.broadcast %mul3A_220 : f32 to vector<16xf32>
          %mul3A_222 = arith.mulf %add3A_219, %mul3A_221 : vector<16xf32>
          %sub3A_223 = arith.subf %get3A_187, %get3A_201 : vector<16xf32>
          %abs3A_224 = math.absf %sub3A_223 : vector<16xf32>
          %sub3A_225 = arith.subf %mul3A_222, %abs3A_224 : vector<16xf32>
          %min3A_226 = arith.minimumf %get3A_195, %get3A_209 : vector<16xf32>
          %min3A_227 = arith.minimumf %sub3A_225, %min3A_226 : vector<16xf32>
          %max3A_228 = arith.constant 0.000000e+00 : f32
          %max3A_229 = vector.broadcast %max3A_228 : f32 to vector<16xf32>
          %max3A_230 = arith.maximumf %min3A_218, %max3A_229 : vector<16xf32>
          %max3A_231 = arith.constant 0.000000e+00 : f32
          %max3A_232 = vector.broadcast %max3A_231 : f32 to vector<16xf32>
          %max3A_233 = arith.maximumf %min3A_227, %max3A_232 : vector<16xf32>
          %mul3A_234 = arith.mulf %max3A_230, %max3A_233 : vector<16xf32>
          %mul3A_235 = arith.mulf %get3A_191, %get3A_195 : vector<16xf32>
          %mul3A_236 = arith.mulf %get3A_205, %get3A_209 : vector<16xf32>
          %add3A_237 = arith.addf %mul3A_235, %mul3A_236 : vector<16xf32>
          %sub3A_238 = arith.subf %add3A_237, %mul3A_234 : vector<16xf32>
          %div3A_239 = arith.divf %mul3A_234, %sub3A_238 : vector<16xf32>
          %mul3A_240 = arith.mulf %div3A_239, %div3A_239 : vector<16xf32>
          %sub3A_241 = arith.constant 1.000000e+00 : f32
          %sub3A_242 = vector.broadcast %sub3A_241 : f32 to vector<16xf32>
          %sub3A_243 = arith.subf %sub3A_242, %mul3A_240 : vector<16xf32>
          %mul3A_244 = arith.constant 16 : i32
          %mul3A_245 = arith.muli %scan3A_172, %mul3A_244 : i32
          %swap3A_246 = arith.index_cast %mul3A_245 : i32 to index
          %swap3A_247 = tpu.vector_load %arg9[%swap3A_246] {strides = array<i32>} : memref<1024xf32, #tpu.memory_space<vmem>>, vector<16xf32>,
          tpu.vector_store %arg9[%swap3A_246], %sub3A_243 {strides = array<i32>} : memref<1024xf32, #tpu.memory_space<vmem>>, vector<16xf32>,
          %scan3A_248 = arith.constant 0 : i32
          %scan3A_249 = arith.constant 2 : i32
          %scan3A_250 = arith.addi %scan3A_102, %scan3A_249 : i32
          %shift_right_arithmetic3A_251 = arith.constant 3 : i32
          %shift_right_arithmetic3A_252 = arith.shrsi %scan3A_250, %shift_right_arithmetic3A_251 : i32
          %shift_left3A_253 = arith.constant 9 : i32
          %shift_left3A_254 = arith.shli %shift_right_arithmetic3A_252, %shift_left3A_253 : i32
          %and3A_255 = arith.constant 7 : i32
          %and3A_256 = arith.andi %scan3A_250, %and3A_255 : i32
          %shift_left3A_257 = arith.constant 4 : i32
          %shift_left3A_258 = arith.shli %and3A_256, %shift_left3A_257 : i32
          %add3A_259 = arith.addi %shift_left3A_254, %shift_left3A_258 : i32
          %get3A_260 = arith.index_cast %add3A_259 : i32 to index
          %get3A_261 = tpu.vector_load %arg5[%get3A_260] {strides = array<i32>} : memref<4096xf32, #tpu.memory_space<vmem>>, vector<16xf32>,
          %add3A_262 = arith.constant 128 : i32
          %add3A_263 = arith.addi %add3A_259, %add3A_262 : i32
          %get3A_264 = arith.index_cast %add3A_263 : i32 to index
          %get3A_265 = tpu.vector_load %arg5[%get3A_264] {strides = array<i32>} : memref<4096xf32, #tpu.memory_space<vmem>>, vector<16xf32>,
          %add3A_266 = arith.constant 256 : i32
          %add3A_267 = arith.addi %add3A_259, %add3A_266 : i32
          %get3A_268 = arith.index_cast %add3A_267 : i32 to index
          %get3A_269 = tpu.vector_load %arg5[%get3A_268] {strides = array<i32>} : memref<4096xf32, #tpu.memory_space<vmem>>, vector<16xf32>,
          %add3A_270 = arith.constant 384 : i32
          %add3A_271 = arith.addi %add3A_259, %add3A_270 : i32
          %get3A_272 = arith.index_cast %add3A_271 : i32 to index
          %get3A_273 = tpu.vector_load %arg5[%get3A_272] {strides = array<i32>} : memref<4096xf32, #tpu.memory_space<vmem>>, vector<16xf32>,
          %get3A_274 = arith.index_cast %add3A_259 : i32 to index
          %get3A_275 = tpu.vector_load %arg7[%get3A_274] {strides = array<i32>} : memref<4096xf32, #tpu.memory_space<vmem>>, vector<16xf32>,
          %add3A_276 = arith.constant 128 : i32
          %add3A_277 = arith.addi %add3A_259, %add3A_276 : i32
          %get3A_278 = arith.index_cast %add3A_277 : i32 to index
          %get3A_279 = tpu.vector_load %arg7[%get3A_278] {strides = array<i32>} : memref<4096xf32, #tpu.memory_space<vmem>>, vector<16xf32>,
          %add3A_280 = arith.constant 256 : i32
          %add3A_281 = arith.addi %add3A_259, %add3A_280 : i32
          %get3A_282 = arith.index_cast %add3A_281 : i32 to index
          %get3A_283 = tpu.vector_load %arg7[%get3A_282] {strides = array<i32>} : memref<4096xf32, #tpu.memory_space<vmem>>, vector<16xf32>,
          %add3A_284 = arith.constant 384 : i32
          %add3A_285 = arith.addi %add3A_259, %add3A_284 : i32
          %get3A_286 = arith.index_cast %add3A_285 : i32 to index
          %get3A_287 = tpu.vector_load %arg7[%get3A_286] {strides = array<i32>} : memref<4096xf32, #tpu.memory_space<vmem>>, vector<16xf32>,
          %add3A_288 = arith.addf %get3A_269, %get3A_283 : vector<16xf32>
          %mul3A_289 = arith.constant 5.000000e-01 : f32
          %mul3A_290 = vector.broadcast %mul3A_289 : f32 to vector<16xf32>
          %mul3A_291 = arith.mulf %add3A_288, %mul3A_290 : vector<16xf32>
          %sub3A_292 = arith.subf %get3A_261, %get3A_275 : vector<16xf32>
          %abs3A_293 = math.absf %sub3A_292 : vector<16xf32>
          %sub3A_294 = arith.subf %mul3A_291, %abs3A_293 : vector<16xf32>
          %min3A_295 = arith.minimumf %get3A_269, %get3A_283 : vector<16xf32>
          %min3A_296 = arith.minimumf %sub3A_294, %min3A_295 : vector<16xf32>
          %add3A_297 = arith.addf %get3A_273, %get3A_287 : vector<16xf32>
          %mul3A_298 = arith.constant 5.000000e-01 : f32
          %mul3A_299 = vector.broadcast %mul3A_298 : f32 to vector<16xf32>
          %mul3A_300 = arith.mulf %add3A_297, %mul3A_299 : vector<16xf32>
          %sub3A_301 = arith.subf %get3A_265, %get3A_279 : vector<16xf32>
          %abs3A_302 = math.absf %sub3A_301 : vector<16xf32>
          %sub3A_303 = arith.subf %mul3A_300, %abs3A_302 : vector<16xf32>
          %min3A_304 = arith.minimumf %get3A_273, %get3A_287 : vector<16xf32>
          %min3A_305 = arith.minimumf %sub3A_303, %min3A_304 : vector<16xf32>
          %max3A_306 = arith.constant 0.000000e+00 : f32
          %max3A_307 = vector.broadcast %max3A_306 : f32 to vector<16xf32>
          %max3A_308 = arith.maximumf %min3A_296, %max3A_307 : vector<16xf32>
          %max3A_309 = arith.constant 0.000000e+00 : f32
          %max3A_310 = vector.broadcast %max3A_309 : f32 to vector<16xf32>
          %max3A_311 = arith.maximumf %min3A_305, %max3A_310 : vector<16xf32>
          %mul3A_312 = arith.mulf %max3A_308, %max3A_311 : vector<16xf32>
          %mul3A_313 = arith.mulf %get3A_269, %get3A_273 : vector<16xf32>
          %mul3A_314 = arith.mulf %get3A_283, %get3A_287 : vector<16xf32>
          %add3A_315 = arith.addf %mul3A_313, %mul3A_314 : vector<16xf32>
          %sub3A_316 = arith.subf %add3A_315, %mul3A_312 : vector<16xf32>
          %div3A_317 = arith.divf %mul3A_312, %sub3A_316 : vector<16xf32>
          %mul3A_318 = arith.mulf %div3A_317, %div3A_317 : vector<16xf32>
          %sub3A_319 = arith.constant 1.000000e+00 : f32
          %sub3A_320 = vector.broadcast %sub3A_319 : f32 to vector<16xf32>
          %sub3A_321 = arith.subf %sub3A_320, %mul3A_318 : vector<16xf32>
          %mul3A_322 = arith.constant 16 : i32
          %mul3A_323 = arith.muli %scan3A_250, %mul3A_322 : i32
          %swap3A_324 = arith.index_cast %mul3A_323 : i32 to index
          %swap3A_325 = tpu.vector_load %arg9[%swap3A_324] {strides = array<i32>} : memref<1024xf32, #tpu.memory_space<vmem>>, vector<16xf32>,
          tpu.vector_store %arg9[%swap3A_324], %sub3A_321 {strides = array<i32>} : memref<1024xf32, #tpu.memory_space<vmem>>, vector<16xf32>,
          %scan3A_326 = arith.constant 0 : i32
          %scan3A_327 = arith.constant 3 : i32
          %scan3A_328 = arith.addi %scan3A_102, %scan3A_327 : i32
          %shift_right_arithmetic3A_329 = arith.constant 3 : i32
          %shift_right_arithmetic3A_330 = arith.shrsi %scan3A_328, %shift_right_arithmetic3A_329 : i32
          %shift_left3A_331 = arith.constant 9 : i32
          %shift_left3A_332 = arith.shli %shift_right_arithmetic3A_330, %shift_left3A_331 : i32
          %and3A_333 = arith.constant 7 : i32
          %and3A_334 = arith.andi %scan3A_328, %and3A_333 : i32
          %shift_left3A_335 = arith.constant 4 : i32
          %shift_left3A_336 = arith.shli %and3A_334, %shift_left3A_335 : i32
          %add3A_337 = arith.addi %shift_left3A_332, %shift_left3A_336 : i32
          %get3A_338 = arith.index_cast %add3A_337 : i32 to index
          %get3A_339 = tpu.vector_load %arg5[%get3A_338] {strides = array<i32>} : memref<4096xf32, #tpu.memory_space<vmem>>, vector<16xf32>,
          %add3A_340 = arith.constant 128 : i32
          %add3A_341 = arith.addi %add3A_337, %add3A_340 : i32
          %get3A_342 = arith.index_cast %add3A_341 : i32 to index
          %get3A_343 = tpu.vector_load %arg5[%get3A_342] {strides = array<i32>} : memref<4096xf32, #tpu.memory_space<vmem>>, vector<16xf32>,
          %add3A_344 = arith.constant 256 : i32
          %add3A_345 = arith.addi %add3A_337, %add3A_344 : i32
          %get3A_346 = arith.index_cast %add3A_345 : i32 to index
          %get3A_347 = tpu.vector_load %arg5[%get3A_346] {strides = array<i32>} : memref<4096xf32, #tpu.memory_space<vmem>>, vector<16xf32>,
          %add3A_348 = arith.constant 384 : i32
          %add3A_349 = arith.addi %add3A_337, %add3A_348 : i32
          %get3A_350 = arith.index_cast %add3A_349 : i32 to index
          %get3A_351 = tpu.vector_load %arg5[%get3A_350] {strides = array<i32>} : memref<4096xf32, #tpu.memory_space<vmem>>, vector<16xf32>,
          %get3A_352 = arith.index_cast %add3A_337 : i32 to index
          %get3A_353 = tpu.vector_load %arg7[%get3A_352] {strides = array<i32>} : memref<4096xf32, #tpu.memory_space<vmem>>, vector<16xf32>,
          %add3A_354 = arith.constant 128 : i32
          %add3A_355 = arith.addi %add3A_337, %add3A_354 : i32
          %get3A_356 = arith.index_cast %add3A_355 : i32 to index
          %get3A_357 = tpu.vector_load %arg7[%get3A_356] {strides = array<i32>} : memref<4096xf32, #tpu.memory_space<vmem>>, vector<16xf32>,
          %add3A_358 = arith.constant 256 : i32
          %add3A_359 = arith.addi %add3A_337, %add3A_358 : i32
          %get3A_360 = arith.index_cast %add3A_359 : i32 to index
          %get3A_361 = tpu.vector_load %arg7[%get3A_360] {strides = array<i32>} : memref<4096xf32, #tpu.memory_space<vmem>>, vector<16xf32>,
          %add3A_362 = arith.constant 384 : i32
          %add3A_363 = arith.addi %add3A_337, %add3A_362 : i32
          %get3A_364 = arith.index_cast %add3A_363 : i32 to index
          %get3A_365 = tpu.vector_load %arg7[%get3A_364] {strides = array<i32>} : memref<4096xf32, #tpu.memory_space<vmem>>, vector<16xf32>,
          %add3A_366 = arith.addf %get3A_347, %get3A_361 : vector<16xf32>
          %mul3A_367 = arith.constant 5.000000e-01 : f32
          %mul3A_368 = vector.broadcast %mul3A_367 : f32 to vector<16xf32>
          %mul3A_369 = arith.mulf %add3A_366, %mul3A_368 : vector<16xf32>
          %sub3A_370 = arith.subf %get3A_339, %get3A_353 : vector<16xf32>
          %abs3A_371 = math.absf %sub3A_370 : vector<16xf32>
          %sub3A_372 = arith.subf %mul3A_369, %abs3A_371 : vector<16xf32>
          %min3A_373 = arith.minimumf %get3A_347, %get3A_361 : vector<16xf32>
          %min3A_374 = arith.minimumf %sub3A_372, %min3A_373 : vector<16xf32>
          %add3A_375 = arith.addf %get3A_351, %get3A_365 : vector<16xf32>
          %mul3A_376 = arith.constant 5.000000e-01 : f32
          %mul3A_377 = vector.broadcast %mul3A_376 : f32 to vector<16xf32>
          %mul3A_378 = arith.mulf %add3A_375, %mul3A_377 : vector<16xf32>
          %sub3A_379 = arith.subf %get3A_343, %get3A_357 : vector<16xf32>
          %abs3A_380 = math.absf %sub3A_379 : vector<16xf32>
          %sub3A_381 = arith.subf %mul3A_378, %abs3A_380 : vector<16xf32>
          %min3A_382 = arith.minimumf %get3A_351, %get3A_365 : vector<16xf32>
          %min3A_383 = arith.minimumf %sub3A_381, %min3A_382 : vector<16xf32>
          %max3A_384 = arith.constant 0.000000e+00 : f32
          %max3A_385 = vector.broadcast %max3A_384 : f32 to vector<16xf32>
          %max3A_386 = arith.maximumf %min3A_374, %max3A_385 : vector<16xf32>
          %max3A_387 = arith.constant 0.000000e+00 : f32
          %max3A_388 = vector.broadcast %max3A_387 : f32 to vector<16xf32>
          %max3A_389 = arith.maximumf %min3A_383, %max3A_388 : vector<16xf32>
          %mul3A_390 = arith.mulf %max3A_386, %max3A_389 : vector<16xf32>
          %mul3A_391 = arith.mulf %get3A_347, %get3A_351 : vector<16xf32>
          %mul3A_392 = arith.mulf %get3A_361, %get3A_365 : vector<16xf32>
          %add3A_393 = arith.addf %mul3A_391, %mul3A_392 : vector<16xf32>
          %sub3A_394 = arith.subf %add3A_393, %mul3A_390 : vector<16xf32>
          %div3A_395 = arith.divf %mul3A_390, %sub3A_394 : vector<16xf32>
          %mul3A_396 = arith.mulf %div3A_395, %div3A_395 : vector<16xf32>
          %sub3A_397 = arith.constant 1.000000e+00 : f32
          %sub3A_398 = vector.broadcast %sub3A_397 : f32 to vector<16xf32>
          %sub3A_399 = arith.subf %sub3A_398, %mul3A_396 : vector<16xf32>
          %mul3A_400 = arith.constant 16 : i32
          %mul3A_401 = arith.muli %scan3A_328, %mul3A_400 : i32
          %swap3A_402 = arith.index_cast %mul3A_401 : i32 to index
          %swap3A_403 = tpu.vector_load %arg9[%swap3A_402] {strides = array<i32>} : memref<1024xf32, #tpu.memory_space<vmem>>, vector<16xf32>,
          tpu.vector_store %arg9[%swap3A_402], %sub3A_399 {strides = array<i32>} : memref<1024xf32, #tpu.memory_space<vmem>>, vector<16xf32>,
          %scan3A_404 = arith.constant 0 : i32
          scf.yield %scan3A_404 : i32
        }
        %scan3A_94 = arith.constant 64 : i32
        %mul3A_95 = arith.constant 8 : i32
        %mul3A_96 = arith.muli %scan3A_29, %mul3A_95 : i32
        %add3A_97 = arith.addi %mul3A_2, %mul3A_96 : i32
        %mul3A_98 = arith.constant 128 : i32
        %mul3A_99 = arith.muli %add3A_97, %mul3A_98 : i32
        %dma_start3A_100 = tpu.memref_slice %arg4[%mul3A_99] : memref<4000000xf32, #tpu.memory_space<hbm>> -> memref<1024xf32, #tpu.memory_space<hbm>>
        %dma_start3A_101 = tpu.memref_slice %arg4[%mul3A_99] : memref<4000000xf32, #tpu.memory_space<hbm>> -> memref<1024xf32, #tpu.memory_space<hbm>>
        tpu.enqueue_dma source(%arg9 : memref<1024xf32, #tpu.memory_space<vmem>>) target(%dma_start3A_101 : memref<1024xf32, #tpu.memory_space<hbm>>) target_semaphore(%arg13 : memref<!tpu.dma_semaphore, #tpu.memory_space<semaphore_mem>>)
      } else {
      }
      %jit3A_46 = arith.constant 2 : i32
      %eq3A_47 = arith.constant 0 : i32
      %eq3A_48 = arith.cmpi eq, %jit3A_46, %eq3A_47 : i32
      %jit3A_49 = arith.constant 1 : i32
      %select_n3A_50 = arith.select %eq3A_48, %jit3A_49, %jit3A_46 : i32
      %rem3A_51 = arith.remsi %scan3A_29, %select_n3A_50 : i32
      %ne3A_52 = arith.constant 0 : i32
      %ne3A_53 = arith.cmpi ne, %rem3A_51, %ne3A_52 : i32
      %lt3A_54 = arith.constant 0 : i32
      %lt3A_55 = arith.cmpi slt, %rem3A_51, %lt3A_54 : i32
      %lt3A_56 = arith.constant 0 : i32
      %lt3A_57 = arith.cmpi slt, %select_n3A_50, %lt3A_56 : i32
      %ne3A_58 = arith.xori %lt3A_55, %lt3A_57 : i1
      %and3A_59 = arith.andi %ne3A_58, %ne3A_53 : i1
      %add3A_60 = arith.addi %rem3A_51, %select_n3A_50 : i32
      %select_n3A_61 = arith.select %and3A_59, %add3A_60, %rem3A_51 : i32
      %eq3A_62 = arith.constant 1 : i32
      %eq3A_63 = arith.cmpi eq, %select_n3A_61, %eq3A_62 : i32
      %convert_element_type3A_64 = arith.extui %eq3A_63 : i1 to i32
      %cond3A_65 = arith.constant 0 : i32
      %cond3A_66 = arith.cmpi ne, %convert_element_type3A_64, %cond3A_65 : i32
      scf.if %cond3A_66 {
        %add3A_68 = arith.constant 1 : i32
        %add3A_69 = arith.addi %scan3A_29, %add3A_68 : i32
        %lt3A_70 = arith.constant 122 : i32
        %lt3A_71 = arith.cmpi slt, %add3A_69, %lt3A_70 : i32
        %convert_element_type3A_72 = arith.extui %lt3A_71 : i1 to i32
        %cond3A_73 = arith.constant 0 : i32
        %cond3A_74 = arith.cmpi ne, %convert_element_type3A_72, %cond3A_73 : i32
        scf.if %cond3A_74 {
          %add3A_102 = arith.constant 1 : i32
          %add3A_103 = arith.addi %scan3A_29, %add3A_102 : i32
          %mul3A_104 = arith.constant 8 : i32
          %mul3A_105 = arith.muli %add3A_103, %mul3A_104 : i32
          %add3A_106 = arith.addi %mul3A_2, %mul3A_105 : i32
          %mul3A_107 = arith.constant 512 : i32
          %mul3A_108 = arith.muli %add3A_106, %mul3A_107 : i32
          %dma_start3A_109 = tpu.memref_slice %arg2[%mul3A_108] : memref<16000000xf32, #tpu.memory_space<hbm>> -> memref<4096xf32, #tpu.memory_space<hbm>>
          %dma_start3A_110 = tpu.memref_slice %arg2[%mul3A_108] : memref<16000000xf32, #tpu.memory_space<hbm>> -> memref<4096xf32, #tpu.memory_space<hbm>>
          tpu.enqueue_dma source(%dma_start3A_110 : memref<4096xf32, #tpu.memory_space<hbm>>) target(%arg5 : memref<4096xf32, #tpu.memory_space<vmem>>) target_semaphore(%arg11 : memref<!tpu.dma_semaphore, #tpu.memory_space<semaphore_mem>>)
          %dma_start3A_111 = tpu.memref_slice %arg3[%mul3A_108] : memref<16000000xf32, #tpu.memory_space<hbm>> -> memref<4096xf32, #tpu.memory_space<hbm>>
          %dma_start3A_112 = tpu.memref_slice %arg3[%mul3A_108] : memref<16000000xf32, #tpu.memory_space<hbm>> -> memref<4096xf32, #tpu.memory_space<hbm>>
          tpu.enqueue_dma source(%dma_start3A_112 : memref<4096xf32, #tpu.memory_space<hbm>>) target(%arg7 : memref<4096xf32, #tpu.memory_space<vmem>>) target_semaphore(%arg11 : memref<!tpu.dma_semaphore, #tpu.memory_space<semaphore_mem>>)
        } else {
        }
        %mul3A_75 = arith.constant 8 : i32
        %mul3A_76 = arith.muli %scan3A_29, %mul3A_75 : i32
        %add3A_77 = arith.addi %mul3A_2, %mul3A_76 : i32
        %mul3A_78 = arith.constant 512 : i32
        %mul3A_79 = arith.muli %add3A_77, %mul3A_78 : i32
        %dma_wait3A_80 = tpu.memref_slice %arg2[%mul3A_79] : memref<16000000xf32, #tpu.memory_space<hbm>> -> memref<4096xf32, #tpu.memory_space<hbm>>
        %dma_wait3A_81 = tpu.memref_slice %arg2[%mul3A_79] : memref<16000000xf32, #tpu.memory_space<hbm>> -> memref<4096xf32, #tpu.memory_space<hbm>>
        tpu.wait_dma2 semaphore(%arg12 : memref<!tpu.dma_semaphore, #tpu.memory_space<semaphore_mem>>) src(%dma_wait3A_81 : memref<4096xf32, #tpu.memory_space<hbm>>) dst(%arg6 : memref<4096xf32, #tpu.memory_space<vmem>>)
        %dma_wait3A_82 = tpu.memref_slice %arg3[%mul3A_79] : memref<16000000xf32, #tpu.memory_space<hbm>> -> memref<4096xf32, #tpu.memory_space<hbm>>
        %dma_wait3A_83 = tpu.memref_slice %arg3[%mul3A_79] : memref<16000000xf32, #tpu.memory_space<hbm>> -> memref<4096xf32, #tpu.memory_space<hbm>>
        tpu.wait_dma2 semaphore(%arg12 : memref<!tpu.dma_semaphore, #tpu.memory_space<semaphore_mem>>) src(%dma_wait3A_83 : memref<4096xf32, #tpu.memory_space<hbm>>) dst(%arg8 : memref<4096xf32, #tpu.memory_space<vmem>>)
        %ge3A = arith.constant 2 : i32
        %ge3A_84 = arith.cmpi sge, %scan3A_29, %ge3A : i32
        %convert_element_type3A_85 = arith.extui %ge3A_84 : i1 to i32
        %cond3A_86 = arith.constant 0 : i32
        %cond3A_87 = arith.cmpi ne, %convert_element_type3A_85, %cond3A_86 : i32
        scf.if %cond3A_87 {
          %sub3A = arith.constant 2 : i32
          %sub3A_102 = arith.subi %scan3A_29, %sub3A : i32
          %mul3A_103 = arith.constant 8 : i32
          %mul3A_104 = arith.muli %sub3A_102, %mul3A_103 : i32
          %add3A_105 = arith.addi %mul3A_2, %mul3A_104 : i32
          %mul3A_106 = arith.constant 128 : i32
          %mul3A_107 = arith.muli %add3A_105, %mul3A_106 : i32
          %dma_wait3A_108 = tpu.memref_slice %arg4[%mul3A_107] : memref<4000000xf32, #tpu.memory_space<hbm>> -> memref<1024xf32, #tpu.memory_space<hbm>>
          %dma_wait3A_109 = tpu.memref_slice %arg4[%mul3A_107] : memref<4000000xf32, #tpu.memory_space<hbm>> -> memref<1024xf32, #tpu.memory_space<hbm>>
          tpu.wait_dma2 semaphore(%arg14 : memref<!tpu.dma_semaphore, #tpu.memory_space<semaphore_mem>>) src(%arg10 : memref<1024xf32, #tpu.memory_space<vmem>>) dst(%dma_wait3A_109 : memref<1024xf32, #tpu.memory_space<hbm>>)
        } else {
        }
        %scan3A_88 = arith.constant 0 : i32
        %scan3A_89 = arith.constant 0 : i32
        %scan3A_90 = arith.constant 64 : i32
        %scan3A_91 = arith.addi %scan3A_89, %scan3A_90 : i32
        %scan3A_92 = arith.constant 4 : i32
        %scan3A_93 = scf.for %scan3A_102 = %scan3A_89 to %scan3A_91 step %scan3A_92 iter_args(%scan3A_103 = %scan3A_88) -> (i32)  : i32 {
          %shift_right_arithmetic3A = arith.constant 3 : i32
          %shift_right_arithmetic3A_104 = arith.shrsi %scan3A_102, %shift_right_arithmetic3A : i32
          %shift_left3A = arith.constant 9 : i32
          %shift_left3A_105 = arith.shli %shift_right_arithmetic3A_104, %shift_left3A : i32
          %and3A_106 = arith.constant 7 : i32
          %and3A_107 = arith.andi %scan3A_102, %and3A_106 : i32
          %shift_left3A_108 = arith.constant 4 : i32
          %shift_left3A_109 = arith.shli %and3A_107, %shift_left3A_108 : i32
          %add3A_110 = arith.addi %shift_left3A_105, %shift_left3A_109 : i32
          %get3A = arith.index_cast %add3A_110 : i32 to index
          %get3A_111 = tpu.vector_load %arg6[%get3A] {strides = array<i32>} : memref<4096xf32, #tpu.memory_space<vmem>>, vector<16xf32>,
          %add3A_112 = arith.constant 128 : i32
          %add3A_113 = arith.addi %add3A_110, %add3A_112 : i32
          %get3A_114 = arith.index_cast %add3A_113 : i32 to index
          %get3A_115 = tpu.vector_load %arg6[%get3A_114] {strides = array<i32>} : memref<4096xf32, #tpu.memory_space<vmem>>, vector<16xf32>,
          %add3A_116 = arith.constant 256 : i32
          %add3A_117 = arith.addi %add3A_110, %add3A_116 : i32
          %get3A_118 = arith.index_cast %add3A_117 : i32 to index
          %get3A_119 = tpu.vector_load %arg6[%get3A_118] {strides = array<i32>} : memref<4096xf32, #tpu.memory_space<vmem>>, vector<16xf32>,
          %add3A_120 = arith.constant 384 : i32
          %add3A_121 = arith.addi %add3A_110, %add3A_120 : i32
          %get3A_122 = arith.index_cast %add3A_121 : i32 to index
          %get3A_123 = tpu.vector_load %arg6[%get3A_122] {strides = array<i32>} : memref<4096xf32, #tpu.memory_space<vmem>>, vector<16xf32>,
          %get3A_124 = arith.index_cast %add3A_110 : i32 to index
          %get3A_125 = tpu.vector_load %arg8[%get3A_124] {strides = array<i32>} : memref<4096xf32, #tpu.memory_space<vmem>>, vector<16xf32>,
          %add3A_126 = arith.constant 128 : i32
          %add3A_127 = arith.addi %add3A_110, %add3A_126 : i32
          %get3A_128 = arith.index_cast %add3A_127 : i32 to index
          %get3A_129 = tpu.vector_load %arg8[%get3A_128] {strides = array<i32>} : memref<4096xf32, #tpu.memory_space<vmem>>, vector<16xf32>,
          %add3A_130 = arith.constant 256 : i32
          %add3A_131 = arith.addi %add3A_110, %add3A_130 : i32
          %get3A_132 = arith.index_cast %add3A_131 : i32 to index
          %get3A_133 = tpu.vector_load %arg8[%get3A_132] {strides = array<i32>} : memref<4096xf32, #tpu.memory_space<vmem>>, vector<16xf32>,
          %add3A_134 = arith.constant 384 : i32
          %add3A_135 = arith.addi %add3A_110, %add3A_134 : i32
          %get3A_136 = arith.index_cast %add3A_135 : i32 to index
          %get3A_137 = tpu.vector_load %arg8[%get3A_136] {strides = array<i32>} : memref<4096xf32, #tpu.memory_space<vmem>>, vector<16xf32>,
          %add3A_138 = arith.addf %get3A_119, %get3A_133 : vector<16xf32>
          %mul3A_139 = arith.constant 5.000000e-01 : f32
          %mul3A_140 = vector.broadcast %mul3A_139 : f32 to vector<16xf32>
          %mul3A_141 = arith.mulf %add3A_138, %mul3A_140 : vector<16xf32>
          %sub3A = arith.subf %get3A_111, %get3A_125 : vector<16xf32>
          %abs3A = math.absf %sub3A : vector<16xf32>
          %sub3A_142 = arith.subf %mul3A_141, %abs3A : vector<16xf32>
          %min3A = arith.minimumf %get3A_119, %get3A_133 : vector<16xf32>
          %min3A_143 = arith.minimumf %sub3A_142, %min3A : vector<16xf32>
          %add3A_144 = arith.addf %get3A_123, %get3A_137 : vector<16xf32>
          %mul3A_145 = arith.constant 5.000000e-01 : f32
          %mul3A_146 = vector.broadcast %mul3A_145 : f32 to vector<16xf32>
          %mul3A_147 = arith.mulf %add3A_144, %mul3A_146 : vector<16xf32>
          %sub3A_148 = arith.subf %get3A_115, %get3A_129 : vector<16xf32>
          %abs3A_149 = math.absf %sub3A_148 : vector<16xf32>
          %sub3A_150 = arith.subf %mul3A_147, %abs3A_149 : vector<16xf32>
          %min3A_151 = arith.minimumf %get3A_123, %get3A_137 : vector<16xf32>
          %min3A_152 = arith.minimumf %sub3A_150, %min3A_151 : vector<16xf32>
          %max3A = arith.constant 0.000000e+00 : f32
          %max3A_153 = vector.broadcast %max3A : f32 to vector<16xf32>
          %max3A_154 = arith.maximumf %min3A_143, %max3A_153 : vector<16xf32>
          %max3A_155 = arith.constant 0.000000e+00 : f32
          %max3A_156 = vector.broadcast %max3A_155 : f32 to vector<16xf32>
          %max3A_157 = arith.maximumf %min3A_152, %max3A_156 : vector<16xf32>
          %mul3A_158 = arith.mulf %max3A_154, %max3A_157 : vector<16xf32>
          %mul3A_159 = arith.mulf %get3A_119, %get3A_123 : vector<16xf32>
          %mul3A_160 = arith.mulf %get3A_133, %get3A_137 : vector<16xf32>
          %add3A_161 = arith.addf %mul3A_159, %mul3A_160 : vector<16xf32>
          %sub3A_162 = arith.subf %add3A_161, %mul3A_158 : vector<16xf32>
          %div3A = arith.divf %mul3A_158, %sub3A_162 : vector<16xf32>
          %mul3A_163 = arith.mulf %div3A, %div3A : vector<16xf32>
          %sub3A_164 = arith.constant 1.000000e+00 : f32
          %sub3A_165 = vector.broadcast %sub3A_164 : f32 to vector<16xf32>
          %sub3A_166 = arith.subf %sub3A_165, %mul3A_163 : vector<16xf32>
          %mul3A_167 = arith.constant 16 : i32
          %mul3A_168 = arith.muli %scan3A_102, %mul3A_167 : i32
          %swap3A = arith.index_cast %mul3A_168 : i32 to index
          %swap3A_169 = tpu.vector_load %arg10[%swap3A] {strides = array<i32>} : memref<1024xf32, #tpu.memory_space<vmem>>, vector<16xf32>,
          tpu.vector_store %arg10[%swap3A], %sub3A_166 {strides = array<i32>} : memref<1024xf32, #tpu.memory_space<vmem>>, vector<16xf32>,
          %scan3A_170 = arith.constant 0 : i32
          %scan3A_171 = arith.constant 1 : i32
          %scan3A_172 = arith.addi %scan3A_102, %scan3A_171 : i32
          %shift_right_arithmetic3A_173 = arith.constant 3 : i32
          %shift_right_arithmetic3A_174 = arith.shrsi %scan3A_172, %shift_right_arithmetic3A_173 : i32
          %shift_left3A_175 = arith.constant 9 : i32
          %shift_left3A_176 = arith.shli %shift_right_arithmetic3A_174, %shift_left3A_175 : i32
          %and3A_177 = arith.constant 7 : i32
          %and3A_178 = arith.andi %scan3A_172, %and3A_177 : i32
          %shift_left3A_179 = arith.constant 4 : i32
          %shift_left3A_180 = arith.shli %and3A_178, %shift_left3A_179 : i32
          %add3A_181 = arith.addi %shift_left3A_176, %shift_left3A_180 : i32
          %get3A_182 = arith.index_cast %add3A_181 : i32 to index
          %get3A_183 = tpu.vector_load %arg6[%get3A_182] {strides = array<i32>} : memref<4096xf32, #tpu.memory_space<vmem>>, vector<16xf32>,
          %add3A_184 = arith.constant 128 : i32
          %add3A_185 = arith.addi %add3A_181, %add3A_184 : i32
          %get3A_186 = arith.index_cast %add3A_185 : i32 to index
          %get3A_187 = tpu.vector_load %arg6[%get3A_186] {strides = array<i32>} : memref<4096xf32, #tpu.memory_space<vmem>>, vector<16xf32>,
          %add3A_188 = arith.constant 256 : i32
          %add3A_189 = arith.addi %add3A_181, %add3A_188 : i32
          %get3A_190 = arith.index_cast %add3A_189 : i32 to index
          %get3A_191 = tpu.vector_load %arg6[%get3A_190] {strides = array<i32>} : memref<4096xf32, #tpu.memory_space<vmem>>, vector<16xf32>,
          %add3A_192 = arith.constant 384 : i32
          %add3A_193 = arith.addi %add3A_181, %add3A_192 : i32
          %get3A_194 = arith.index_cast %add3A_193 : i32 to index
          %get3A_195 = tpu.vector_load %arg6[%get3A_194] {strides = array<i32>} : memref<4096xf32, #tpu.memory_space<vmem>>, vector<16xf32>,
          %get3A_196 = arith.index_cast %add3A_181 : i32 to index
          %get3A_197 = tpu.vector_load %arg8[%get3A_196] {strides = array<i32>} : memref<4096xf32, #tpu.memory_space<vmem>>, vector<16xf32>,
          %add3A_198 = arith.constant 128 : i32
          %add3A_199 = arith.addi %add3A_181, %add3A_198 : i32
          %get3A_200 = arith.index_cast %add3A_199 : i32 to index
          %get3A_201 = tpu.vector_load %arg8[%get3A_200] {strides = array<i32>} : memref<4096xf32, #tpu.memory_space<vmem>>, vector<16xf32>,
          %add3A_202 = arith.constant 256 : i32
          %add3A_203 = arith.addi %add3A_181, %add3A_202 : i32
          %get3A_204 = arith.index_cast %add3A_203 : i32 to index
          %get3A_205 = tpu.vector_load %arg8[%get3A_204] {strides = array<i32>} : memref<4096xf32, #tpu.memory_space<vmem>>, vector<16xf32>,
          %add3A_206 = arith.constant 384 : i32
          %add3A_207 = arith.addi %add3A_181, %add3A_206 : i32
          %get3A_208 = arith.index_cast %add3A_207 : i32 to index
          %get3A_209 = tpu.vector_load %arg8[%get3A_208] {strides = array<i32>} : memref<4096xf32, #tpu.memory_space<vmem>>, vector<16xf32>,
          %add3A_210 = arith.addf %get3A_191, %get3A_205 : vector<16xf32>
          %mul3A_211 = arith.constant 5.000000e-01 : f32
          %mul3A_212 = vector.broadcast %mul3A_211 : f32 to vector<16xf32>
          %mul3A_213 = arith.mulf %add3A_210, %mul3A_212 : vector<16xf32>
          %sub3A_214 = arith.subf %get3A_183, %get3A_197 : vector<16xf32>
          %abs3A_215 = math.absf %sub3A_214 : vector<16xf32>
          %sub3A_216 = arith.subf %mul3A_213, %abs3A_215 : vector<16xf32>
          %min3A_217 = arith.minimumf %get3A_191, %get3A_205 : vector<16xf32>
          %min3A_218 = arith.minimumf %sub3A_216, %min3A_217 : vector<16xf32>
          %add3A_219 = arith.addf %get3A_195, %get3A_209 : vector<16xf32>
          %mul3A_220 = arith.constant 5.000000e-01 : f32
          %mul3A_221 = vector.broadcast %mul3A_220 : f32 to vector<16xf32>
          %mul3A_222 = arith.mulf %add3A_219, %mul3A_221 : vector<16xf32>
          %sub3A_223 = arith.subf %get3A_187, %get3A_201 : vector<16xf32>
          %abs3A_224 = math.absf %sub3A_223 : vector<16xf32>
          %sub3A_225 = arith.subf %mul3A_222, %abs3A_224 : vector<16xf32>
          %min3A_226 = arith.minimumf %get3A_195, %get3A_209 : vector<16xf32>
          %min3A_227 = arith.minimumf %sub3A_225, %min3A_226 : vector<16xf32>
          %max3A_228 = arith.constant 0.000000e+00 : f32
          %max3A_229 = vector.broadcast %max3A_228 : f32 to vector<16xf32>
          %max3A_230 = arith.maximumf %min3A_218, %max3A_229 : vector<16xf32>
          %max3A_231 = arith.constant 0.000000e+00 : f32
          %max3A_232 = vector.broadcast %max3A_231 : f32 to vector<16xf32>
          %max3A_233 = arith.maximumf %min3A_227, %max3A_232 : vector<16xf32>
          %mul3A_234 = arith.mulf %max3A_230, %max3A_233 : vector<16xf32>
          %mul3A_235 = arith.mulf %get3A_191, %get3A_195 : vector<16xf32>
          %mul3A_236 = arith.mulf %get3A_205, %get3A_209 : vector<16xf32>
          %add3A_237 = arith.addf %mul3A_235, %mul3A_236 : vector<16xf32>
          %sub3A_238 = arith.subf %add3A_237, %mul3A_234 : vector<16xf32>
          %div3A_239 = arith.divf %mul3A_234, %sub3A_238 : vector<16xf32>
          %mul3A_240 = arith.mulf %div3A_239, %div3A_239 : vector<16xf32>
          %sub3A_241 = arith.constant 1.000000e+00 : f32
          %sub3A_242 = vector.broadcast %sub3A_241 : f32 to vector<16xf32>
          %sub3A_243 = arith.subf %sub3A_242, %mul3A_240 : vector<16xf32>
          %mul3A_244 = arith.constant 16 : i32
          %mul3A_245 = arith.muli %scan3A_172, %mul3A_244 : i32
          %swap3A_246 = arith.index_cast %mul3A_245 : i32 to index
          %swap3A_247 = tpu.vector_load %arg10[%swap3A_246] {strides = array<i32>} : memref<1024xf32, #tpu.memory_space<vmem>>, vector<16xf32>,
          tpu.vector_store %arg10[%swap3A_246], %sub3A_243 {strides = array<i32>} : memref<1024xf32, #tpu.memory_space<vmem>>, vector<16xf32>,
          %scan3A_248 = arith.constant 0 : i32
          %scan3A_249 = arith.constant 2 : i32
          %scan3A_250 = arith.addi %scan3A_102, %scan3A_249 : i32
          %shift_right_arithmetic3A_251 = arith.constant 3 : i32
          %shift_right_arithmetic3A_252 = arith.shrsi %scan3A_250, %shift_right_arithmetic3A_251 : i32
          %shift_left3A_253 = arith.constant 9 : i32
          %shift_left3A_254 = arith.shli %shift_right_arithmetic3A_252, %shift_left3A_253 : i32
          %and3A_255 = arith.constant 7 : i32
          %and3A_256 = arith.andi %scan3A_250, %and3A_255 : i32
          %shift_left3A_257 = arith.constant 4 : i32
          %shift_left3A_258 = arith.shli %and3A_256, %shift_left3A_257 : i32
          %add3A_259 = arith.addi %shift_left3A_254, %shift_left3A_258 : i32
          %get3A_260 = arith.index_cast %add3A_259 : i32 to index
          %get3A_261 = tpu.vector_load %arg6[%get3A_260] {strides = array<i32>} : memref<4096xf32, #tpu.memory_space<vmem>>, vector<16xf32>,
          %add3A_262 = arith.constant 128 : i32
          %add3A_263 = arith.addi %add3A_259, %add3A_262 : i32
          %get3A_264 = arith.index_cast %add3A_263 : i32 to index
          %get3A_265 = tpu.vector_load %arg6[%get3A_264] {strides = array<i32>} : memref<4096xf32, #tpu.memory_space<vmem>>, vector<16xf32>,
          %add3A_266 = arith.constant 256 : i32
          %add3A_267 = arith.addi %add3A_259, %add3A_266 : i32
          %get3A_268 = arith.index_cast %add3A_267 : i32 to index
          %get3A_269 = tpu.vector_load %arg6[%get3A_268] {strides = array<i32>} : memref<4096xf32, #tpu.memory_space<vmem>>, vector<16xf32>,
          %add3A_270 = arith.constant 384 : i32
          %add3A_271 = arith.addi %add3A_259, %add3A_270 : i32
          %get3A_272 = arith.index_cast %add3A_271 : i32 to index
          %get3A_273 = tpu.vector_load %arg6[%get3A_272] {strides = array<i32>} : memref<4096xf32, #tpu.memory_space<vmem>>, vector<16xf32>,
          %get3A_274 = arith.index_cast %add3A_259 : i32 to index
          %get3A_275 = tpu.vector_load %arg8[%get3A_274] {strides = array<i32>} : memref<4096xf32, #tpu.memory_space<vmem>>, vector<16xf32>,
          %add3A_276 = arith.constant 128 : i32
          %add3A_277 = arith.addi %add3A_259, %add3A_276 : i32
          %get3A_278 = arith.index_cast %add3A_277 : i32 to index
          %get3A_279 = tpu.vector_load %arg8[%get3A_278] {strides = array<i32>} : memref<4096xf32, #tpu.memory_space<vmem>>, vector<16xf32>,
          %add3A_280 = arith.constant 256 : i32
          %add3A_281 = arith.addi %add3A_259, %add3A_280 : i32
          %get3A_282 = arith.index_cast %add3A_281 : i32 to index
          %get3A_283 = tpu.vector_load %arg8[%get3A_282] {strides = array<i32>} : memref<4096xf32, #tpu.memory_space<vmem>>, vector<16xf32>,
          %add3A_284 = arith.constant 384 : i32
          %add3A_285 = arith.addi %add3A_259, %add3A_284 : i32
          %get3A_286 = arith.index_cast %add3A_285 : i32 to index
          %get3A_287 = tpu.vector_load %arg8[%get3A_286] {strides = array<i32>} : memref<4096xf32, #tpu.memory_space<vmem>>, vector<16xf32>,
          %add3A_288 = arith.addf %get3A_269, %get3A_283 : vector<16xf32>
          %mul3A_289 = arith.constant 5.000000e-01 : f32
          %mul3A_290 = vector.broadcast %mul3A_289 : f32 to vector<16xf32>
          %mul3A_291 = arith.mulf %add3A_288, %mul3A_290 : vector<16xf32>
          %sub3A_292 = arith.subf %get3A_261, %get3A_275 : vector<16xf32>
          %abs3A_293 = math.absf %sub3A_292 : vector<16xf32>
          %sub3A_294 = arith.subf %mul3A_291, %abs3A_293 : vector<16xf32>
          %min3A_295 = arith.minimumf %get3A_269, %get3A_283 : vector<16xf32>
          %min3A_296 = arith.minimumf %sub3A_294, %min3A_295 : vector<16xf32>
          %add3A_297 = arith.addf %get3A_273, %get3A_287 : vector<16xf32>
          %mul3A_298 = arith.constant 5.000000e-01 : f32
          %mul3A_299 = vector.broadcast %mul3A_298 : f32 to vector<16xf32>
          %mul3A_300 = arith.mulf %add3A_297, %mul3A_299 : vector<16xf32>
          %sub3A_301 = arith.subf %get3A_265, %get3A_279 : vector<16xf32>
          %abs3A_302 = math.absf %sub3A_301 : vector<16xf32>
          %sub3A_303 = arith.subf %mul3A_300, %abs3A_302 : vector<16xf32>
          %min3A_304 = arith.minimumf %get3A_273, %get3A_287 : vector<16xf32>
          %min3A_305 = arith.minimumf %sub3A_303, %min3A_304 : vector<16xf32>
          %max3A_306 = arith.constant 0.000000e+00 : f32
          %max3A_307 = vector.broadcast %max3A_306 : f32 to vector<16xf32>
          %max3A_308 = arith.maximumf %min3A_296, %max3A_307 : vector<16xf32>
          %max3A_309 = arith.constant 0.000000e+00 : f32
          %max3A_310 = vector.broadcast %max3A_309 : f32 to vector<16xf32>
          %max3A_311 = arith.maximumf %min3A_305, %max3A_310 : vector<16xf32>
          %mul3A_312 = arith.mulf %max3A_308, %max3A_311 : vector<16xf32>
          %mul3A_313 = arith.mulf %get3A_269, %get3A_273 : vector<16xf32>
          %mul3A_314 = arith.mulf %get3A_283, %get3A_287 : vector<16xf32>
          %add3A_315 = arith.addf %mul3A_313, %mul3A_314 : vector<16xf32>
          %sub3A_316 = arith.subf %add3A_315, %mul3A_312 : vector<16xf32>
          %div3A_317 = arith.divf %mul3A_312, %sub3A_316 : vector<16xf32>
          %mul3A_318 = arith.mulf %div3A_317, %div3A_317 : vector<16xf32>
          %sub3A_319 = arith.constant 1.000000e+00 : f32
          %sub3A_320 = vector.broadcast %sub3A_319 : f32 to vector<16xf32>
          %sub3A_321 = arith.subf %sub3A_320, %mul3A_318 : vector<16xf32>
          %mul3A_322 = arith.constant 16 : i32
          %mul3A_323 = arith.muli %scan3A_250, %mul3A_322 : i32
          %swap3A_324 = arith.index_cast %mul3A_323 : i32 to index
          %swap3A_325 = tpu.vector_load %arg10[%swap3A_324] {strides = array<i32>} : memref<1024xf32, #tpu.memory_space<vmem>>, vector<16xf32>,
          tpu.vector_store %arg10[%swap3A_324], %sub3A_321 {strides = array<i32>} : memref<1024xf32, #tpu.memory_space<vmem>>, vector<16xf32>,
          %scan3A_326 = arith.constant 0 : i32
          %scan3A_327 = arith.constant 3 : i32
          %scan3A_328 = arith.addi %scan3A_102, %scan3A_327 : i32
          %shift_right_arithmetic3A_329 = arith.constant 3 : i32
          %shift_right_arithmetic3A_330 = arith.shrsi %scan3A_328, %shift_right_arithmetic3A_329 : i32
          %shift_left3A_331 = arith.constant 9 : i32
          %shift_left3A_332 = arith.shli %shift_right_arithmetic3A_330, %shift_left3A_331 : i32
          %and3A_333 = arith.constant 7 : i32
          %and3A_334 = arith.andi %scan3A_328, %and3A_333 : i32
          %shift_left3A_335 = arith.constant 4 : i32
          %shift_left3A_336 = arith.shli %and3A_334, %shift_left3A_335 : i32
          %add3A_337 = arith.addi %shift_left3A_332, %shift_left3A_336 : i32
          %get3A_338 = arith.index_cast %add3A_337 : i32 to index
          %get3A_339 = tpu.vector_load %arg6[%get3A_338] {strides = array<i32>} : memref<4096xf32, #tpu.memory_space<vmem>>, vector<16xf32>,
          %add3A_340 = arith.constant 128 : i32
          %add3A_341 = arith.addi %add3A_337, %add3A_340 : i32
          %get3A_342 = arith.index_cast %add3A_341 : i32 to index
          %get3A_343 = tpu.vector_load %arg6[%get3A_342] {strides = array<i32>} : memref<4096xf32, #tpu.memory_space<vmem>>, vector<16xf32>,
          %add3A_344 = arith.constant 256 : i32
          %add3A_345 = arith.addi %add3A_337, %add3A_344 : i32
          %get3A_346 = arith.index_cast %add3A_345 : i32 to index
          %get3A_347 = tpu.vector_load %arg6[%get3A_346] {strides = array<i32>} : memref<4096xf32, #tpu.memory_space<vmem>>, vector<16xf32>,
          %add3A_348 = arith.constant 384 : i32
          %add3A_349 = arith.addi %add3A_337, %add3A_348 : i32
          %get3A_350 = arith.index_cast %add3A_349 : i32 to index
          %get3A_351 = tpu.vector_load %arg6[%get3A_350] {strides = array<i32>} : memref<4096xf32, #tpu.memory_space<vmem>>, vector<16xf32>,
          %get3A_352 = arith.index_cast %add3A_337 : i32 to index
          %get3A_353 = tpu.vector_load %arg8[%get3A_352] {strides = array<i32>} : memref<4096xf32, #tpu.memory_space<vmem>>, vector<16xf32>,
          %add3A_354 = arith.constant 128 : i32
          %add3A_355 = arith.addi %add3A_337, %add3A_354 : i32
          %get3A_356 = arith.index_cast %add3A_355 : i32 to index
          %get3A_357 = tpu.vector_load %arg8[%get3A_356] {strides = array<i32>} : memref<4096xf32, #tpu.memory_space<vmem>>, vector<16xf32>,
          %add3A_358 = arith.constant 256 : i32
          %add3A_359 = arith.addi %add3A_337, %add3A_358 : i32
          %get3A_360 = arith.index_cast %add3A_359 : i32 to index
          %get3A_361 = tpu.vector_load %arg8[%get3A_360] {strides = array<i32>} : memref<4096xf32, #tpu.memory_space<vmem>>, vector<16xf32>,
          %add3A_362 = arith.constant 384 : i32
          %add3A_363 = arith.addi %add3A_337, %add3A_362 : i32
          %get3A_364 = arith.index_cast %add3A_363 : i32 to index
          %get3A_365 = tpu.vector_load %arg8[%get3A_364] {strides = array<i32>} : memref<4096xf32, #tpu.memory_space<vmem>>, vector<16xf32>,
          %add3A_366 = arith.addf %get3A_347, %get3A_361 : vector<16xf32>
          %mul3A_367 = arith.constant 5.000000e-01 : f32
          %mul3A_368 = vector.broadcast %mul3A_367 : f32 to vector<16xf32>
          %mul3A_369 = arith.mulf %add3A_366, %mul3A_368 : vector<16xf32>
          %sub3A_370 = arith.subf %get3A_339, %get3A_353 : vector<16xf32>
          %abs3A_371 = math.absf %sub3A_370 : vector<16xf32>
          %sub3A_372 = arith.subf %mul3A_369, %abs3A_371 : vector<16xf32>
          %min3A_373 = arith.minimumf %get3A_347, %get3A_361 : vector<16xf32>
          %min3A_374 = arith.minimumf %sub3A_372, %min3A_373 : vector<16xf32>
          %add3A_375 = arith.addf %get3A_351, %get3A_365 : vector<16xf32>
          %mul3A_376 = arith.constant 5.000000e-01 : f32
          %mul3A_377 = vector.broadcast %mul3A_376 : f32 to vector<16xf32>
          %mul3A_378 = arith.mulf %add3A_375, %mul3A_377 : vector<16xf32>
          %sub3A_379 = arith.subf %get3A_343, %get3A_357 : vector<16xf32>
          %abs3A_380 = math.absf %sub3A_379 : vector<16xf32>
          %sub3A_381 = arith.subf %mul3A_378, %abs3A_380 : vector<16xf32>
          %min3A_382 = arith.minimumf %get3A_351, %get3A_365 : vector<16xf32>
          %min3A_383 = arith.minimumf %sub3A_381, %min3A_382 : vector<16xf32>
          %max3A_384 = arith.constant 0.000000e+00 : f32
          %max3A_385 = vector.broadcast %max3A_384 : f32 to vector<16xf32>
          %max3A_386 = arith.maximumf %min3A_374, %max3A_385 : vector<16xf32>
          %max3A_387 = arith.constant 0.000000e+00 : f32
          %max3A_388 = vector.broadcast %max3A_387 : f32 to vector<16xf32>
          %max3A_389 = arith.maximumf %min3A_383, %max3A_388 : vector<16xf32>
          %mul3A_390 = arith.mulf %max3A_386, %max3A_389 : vector<16xf32>
          %mul3A_391 = arith.mulf %get3A_347, %get3A_351 : vector<16xf32>
          %mul3A_392 = arith.mulf %get3A_361, %get3A_365 : vector<16xf32>
          %add3A_393 = arith.addf %mul3A_391, %mul3A_392 : vector<16xf32>
          %sub3A_394 = arith.subf %add3A_393, %mul3A_390 : vector<16xf32>
          %div3A_395 = arith.divf %mul3A_390, %sub3A_394 : vector<16xf32>
          %mul3A_396 = arith.mulf %div3A_395, %div3A_395 : vector<16xf32>
          %sub3A_397 = arith.constant 1.000000e+00 : f32
          %sub3A_398 = vector.broadcast %sub3A_397 : f32 to vector<16xf32>
          %sub3A_399 = arith.subf %sub3A_398, %mul3A_396 : vector<16xf32>
          %mul3A_400 = arith.constant 16 : i32
          %mul3A_401 = arith.muli %scan3A_328, %mul3A_400 : i32
          %swap3A_402 = arith.index_cast %mul3A_401 : i32 to index
          %swap3A_403 = tpu.vector_load %arg10[%swap3A_402] {strides = array<i32>} : memref<1024xf32, #tpu.memory_space<vmem>>, vector<16xf32>,
          tpu.vector_store %arg10[%swap3A_402], %sub3A_399 {strides = array<i32>} : memref<1024xf32, #tpu.memory_space<vmem>>, vector<16xf32>,
          %scan3A_404 = arith.constant 0 : i32
          scf.yield %scan3A_404 : i32
        }
        %scan3A_94 = arith.constant 64 : i32
        %mul3A_95 = arith.constant 8 : i32
        %mul3A_96 = arith.muli %scan3A_29, %mul3A_95 : i32
        %add3A_97 = arith.addi %mul3A_2, %mul3A_96 : i32
        %mul3A_98 = arith.constant 128 : i32
        %mul3A_99 = arith.muli %add3A_97, %mul3A_98 : i32
        %dma_start3A_100 = tpu.memref_slice %arg4[%mul3A_99] : memref<4000000xf32, #tpu.memory_space<hbm>> -> memref<1024xf32, #tpu.memory_space<hbm>>
        %dma_start3A_101 = tpu.memref_slice %arg4[%mul3A_99] : memref<4000000xf32, #tpu.memory_space<hbm>> -> memref<1024xf32, #tpu.memory_space<hbm>>
        tpu.enqueue_dma source(%arg10 : memref<1024xf32, #tpu.memory_space<vmem>>) target(%dma_start3A_101 : memref<1024xf32, #tpu.memory_space<hbm>>) target_semaphore(%arg14 : memref<!tpu.dma_semaphore, #tpu.memory_space<semaphore_mem>>)
      } else {
      }
      %scan3A_67 = arith.constant 0 : i32
      scf.yield %scan3A_67 : i32
    }
    %scan3A_15 = arith.constant 122 : i32
    %add3A_16 = arith.constant 960 : i32
    %add3A_17 = arith.addi %mul3A_2, %add3A_16 : i32
    %mul3A_18 = arith.constant 128 : i32
    %mul3A_19 = arith.muli %add3A_17, %mul3A_18 : i32
    %dma_wait3A = tpu.memref_slice %arg4[%mul3A_19] : memref<4000000xf32, #tpu.memory_space<hbm>> -> memref<1024xf32, #tpu.memory_space<hbm>>
    %dma_wait3A_20 = tpu.memref_slice %arg4[%mul3A_19] : memref<4000000xf32, #tpu.memory_space<hbm>> -> memref<1024xf32, #tpu.memory_space<hbm>>
    tpu.wait_dma2 semaphore(%arg13 : memref<!tpu.dma_semaphore, #tpu.memory_space<semaphore_mem>>) src(%arg9 : memref<1024xf32, #tpu.memory_space<vmem>>) dst(%dma_wait3A_20 : memref<1024xf32, #tpu.memory_space<hbm>>)
    %add3A_21 = arith.constant 968 : i32
    %add3A_22 = arith.addi %mul3A_2, %add3A_21 : i32
    %mul3A_23 = arith.constant 128 : i32
    %mul3A_24 = arith.muli %add3A_22, %mul3A_23 : i32
    %dma_wait3A_25 = tpu.memref_slice %arg4[%mul3A_24] : memref<4000000xf32, #tpu.memory_space<hbm>> -> memref<1024xf32, #tpu.memory_space<hbm>>
    %dma_wait3A_26 = tpu.memref_slice %arg4[%mul3A_24] : memref<4000000xf32, #tpu.memory_space<hbm>> -> memref<1024xf32, #tpu.memory_space<hbm>>
    tpu.wait_dma2 semaphore(%arg14 : memref<!tpu.dma_semaphore, #tpu.memory_space<semaphore_mem>>) src(%arg10 : memref<1024xf32, #tpu.memory_space<vmem>>) dst(%dma_wait3A_26 : memref<1024xf32, #tpu.memory_space<hbm>>)
    %lt3A = arith.constant 18 : i32
    %lt3A_27 = arith.cmpi slt, %add3A, %lt3A : i32
    %convert_element_type3A = arith.extui %lt3A_27 : i1 to i32
    %cond3A = arith.constant 0 : i32
    %cond3A_28 = arith.cmpi ne, %convert_element_type3A, %cond3A : i32
    scf.if %cond3A_28 {
      %add3A_29 = arith.constant 31232 : i32
      %add3A_30 = arith.addi %add3A_29, %add3A : i32
      %mul3A_31 = arith.constant 512 : i32
      %mul3A_32 = arith.muli %add3A_30, %mul3A_31 : i32
      "tpu.region"() ({
        %run_scoped3A = tpu.sem_alloc : memref<!tpu.dma_semaphore, #tpu.memory_space<semaphore_mem>>
        %dma_start3A_44 = arith.constant 0 : i32
        %dma_start3A_45 = tpu.memref_slice %arg5[%dma_start3A_44] : memref<4096xf32, #tpu.memory_space<vmem>> -> memref<512xf32, #tpu.memory_space<vmem>>
        %dma_start3A_46 = tpu.memref_slice %arg2[%mul3A_32] : memref<16000000xf32, #tpu.memory_space<hbm>> -> memref<512xf32, #tpu.memory_space<hbm>>
        %dma_start3A_47 = arith.constant 0 : i32
        %dma_start3A_48 = tpu.memref_slice %arg5[%dma_start3A_47] : memref<4096xf32, #tpu.memory_space<vmem>> -> memref<512xf32, #tpu.memory_space<vmem>>
        %dma_start3A_49 = tpu.memref_slice %arg2[%mul3A_32] : memref<16000000xf32, #tpu.memory_space<hbm>> -> memref<512xf32, #tpu.memory_space<hbm>>
        tpu.enqueue_dma source(%dma_start3A_49 : memref<512xf32, #tpu.memory_space<hbm>>) target(%dma_start3A_48 : memref<512xf32, #tpu.memory_space<vmem>>) target_semaphore(%run_scoped3A : memref<!tpu.dma_semaphore, #tpu.memory_space<semaphore_mem>>)
        %dma_wait3A_50 = arith.constant 0 : i32
        %dma_wait3A_51 = tpu.memref_slice %arg5[%dma_wait3A_50] : memref<4096xf32, #tpu.memory_space<vmem>> -> memref<512xf32, #tpu.memory_space<vmem>>
        %dma_wait3A_52 = tpu.memref_slice %arg2[%mul3A_32] : memref<16000000xf32, #tpu.memory_space<hbm>> -> memref<512xf32, #tpu.memory_space<hbm>>
        %dma_wait3A_53 = arith.constant 0 : i32
        %dma_wait3A_54 = tpu.memref_slice %arg5[%dma_wait3A_53] : memref<4096xf32, #tpu.memory_space<vmem>> -> memref<512xf32, #tpu.memory_space<vmem>>
        %dma_wait3A_55 = tpu.memref_slice %arg2[%mul3A_32] : memref<16000000xf32, #tpu.memory_space<hbm>> -> memref<512xf32, #tpu.memory_space<hbm>>
        tpu.wait_dma2 semaphore(%run_scoped3A : memref<!tpu.dma_semaphore, #tpu.memory_space<semaphore_mem>>) src(%dma_wait3A_55 : memref<512xf32, #tpu.memory_space<hbm>>) dst(%dma_wait3A_54 : memref<512xf32, #tpu.memory_space<vmem>>)
        tpu.yield
      }) : () -> ()
      %mul3A_33 = arith.constant 512 : i32
      %mul3A_34 = arith.muli %add3A_30, %mul3A_33 : i32
      "tpu.region"() ({
        %run_scoped3A = tpu.sem_alloc : memref<!tpu.dma_semaphore, #tpu.memory_space<semaphore_mem>>
        %dma_start3A_44 = arith.constant 0 : i32
        %dma_start3A_45 = tpu.memref_slice %arg7[%dma_start3A_44] : memref<4096xf32, #tpu.memory_space<vmem>> -> memref<512xf32, #tpu.memory_space<vmem>>
        %dma_start3A_46 = tpu.memref_slice %arg3[%mul3A_34] : memref<16000000xf32, #tpu.memory_space<hbm>> -> memref<512xf32, #tpu.memory_space<hbm>>
        %dma_start3A_47 = arith.constant 0 : i32
        %dma_start3A_48 = tpu.memref_slice %arg7[%dma_start3A_47] : memref<4096xf32, #tpu.memory_space<vmem>> -> memref<512xf32, #tpu.memory_space<vmem>>
        %dma_start3A_49 = tpu.memref_slice %arg3[%mul3A_34] : memref<16000000xf32, #tpu.memory_space<hbm>> -> memref<512xf32, #tpu.memory_space<hbm>>
        tpu.enqueue_dma source(%dma_start3A_49 : memref<512xf32, #tpu.memory_space<hbm>>) target(%dma_start3A_48 : memref<512xf32, #tpu.memory_space<vmem>>) target_semaphore(%run_scoped3A : memref<!tpu.dma_semaphore, #tpu.memory_space<semaphore_mem>>)
        %dma_wait3A_50 = arith.constant 0 : i32
        %dma_wait3A_51 = tpu.memref_slice %arg7[%dma_wait3A_50] : memref<4096xf32, #tpu.memory_space<vmem>> -> memref<512xf32, #tpu.memory_space<vmem>>
        %dma_wait3A_52 = tpu.memref_slice %arg3[%mul3A_34] : memref<16000000xf32, #tpu.memory_space<hbm>> -> memref<512xf32, #tpu.memory_space<hbm>>
        %dma_wait3A_53 = arith.constant 0 : i32
        %dma_wait3A_54 = tpu.memref_slice %arg7[%dma_wait3A_53] : memref<4096xf32, #tpu.memory_space<vmem>> -> memref<512xf32, #tpu.memory_space<vmem>>
        %dma_wait3A_55 = tpu.memref_slice %arg3[%mul3A_34] : memref<16000000xf32, #tpu.memory_space<hbm>> -> memref<512xf32, #tpu.memory_space<hbm>>
        tpu.wait_dma2 semaphore(%run_scoped3A : memref<!tpu.dma_semaphore, #tpu.memory_space<semaphore_mem>>) src(%dma_wait3A_55 : memref<512xf32, #tpu.memory_space<hbm>>) dst(%dma_wait3A_54 : memref<512xf32, #tpu.memory_space<vmem>>)
        tpu.yield
      }) : () -> ()
      %scan3A_35 = arith.constant 0 : i32
      %scan3A_36 = arith.constant 0 : i32
      %scan3A_37 = arith.constant 8 : i32
      %scan3A_38 = arith.addi %scan3A_36, %scan3A_37 : i32
      %scan3A_39 = arith.constant 4 : i32
      %scan3A_40 = scf.for %scan3A_44 = %scan3A_36 to %scan3A_38 step %scan3A_39 iter_args(%scan3A_45 = %scan3A_35) -> (i32)  : i32 {
        %shift_right_arithmetic3A = arith.constant 3 : i32
        %shift_right_arithmetic3A_46 = arith.shrsi %scan3A_44, %shift_right_arithmetic3A : i32
        %shift_left3A = arith.constant 9 : i32
        %shift_left3A_47 = arith.shli %shift_right_arithmetic3A_46, %shift_left3A : i32
        %and3A = arith.constant 7 : i32
        %and3A_48 = arith.andi %scan3A_44, %and3A : i32
        %shift_left3A_49 = arith.constant 4 : i32
        %shift_left3A_50 = arith.shli %and3A_48, %shift_left3A_49 : i32
        %add3A_51 = arith.addi %shift_left3A_47, %shift_left3A_50 : i32
        %get3A = arith.index_cast %add3A_51 : i32 to index
        %get3A_52 = tpu.vector_load %arg5[%get3A] {strides = array<i32>} : memref<4096xf32, #tpu.memory_space<vmem>>, vector<16xf32>,
        %add3A_53 = arith.constant 128 : i32
        %add3A_54 = arith.addi %add3A_51, %add3A_53 : i32
        %get3A_55 = arith.index_cast %add3A_54 : i32 to index
        %get3A_56 = tpu.vector_load %arg5[%get3A_55] {strides = array<i32>} : memref<4096xf32, #tpu.memory_space<vmem>>, vector<16xf32>,
        %add3A_57 = arith.constant 256 : i32
        %add3A_58 = arith.addi %add3A_51, %add3A_57 : i32
        %get3A_59 = arith.index_cast %add3A_58 : i32 to index
        %get3A_60 = tpu.vector_load %arg5[%get3A_59] {strides = array<i32>} : memref<4096xf32, #tpu.memory_space<vmem>>, vector<16xf32>,
        %add3A_61 = arith.constant 384 : i32
        %add3A_62 = arith.addi %add3A_51, %add3A_61 : i32
        %get3A_63 = arith.index_cast %add3A_62 : i32 to index
        %get3A_64 = tpu.vector_load %arg5[%get3A_63] {strides = array<i32>} : memref<4096xf32, #tpu.memory_space<vmem>>, vector<16xf32>,
        %get3A_65 = arith.index_cast %add3A_51 : i32 to index
        %get3A_66 = tpu.vector_load %arg7[%get3A_65] {strides = array<i32>} : memref<4096xf32, #tpu.memory_space<vmem>>, vector<16xf32>,
        %add3A_67 = arith.constant 128 : i32
        %add3A_68 = arith.addi %add3A_51, %add3A_67 : i32
        %get3A_69 = arith.index_cast %add3A_68 : i32 to index
        %get3A_70 = tpu.vector_load %arg7[%get3A_69] {strides = array<i32>} : memref<4096xf32, #tpu.memory_space<vmem>>, vector<16xf32>,
        %add3A_71 = arith.constant 256 : i32
        %add3A_72 = arith.addi %add3A_51, %add3A_71 : i32
        %get3A_73 = arith.index_cast %add3A_72 : i32 to index
        %get3A_74 = tpu.vector_load %arg7[%get3A_73] {strides = array<i32>} : memref<4096xf32, #tpu.memory_space<vmem>>, vector<16xf32>,
        %add3A_75 = arith.constant 384 : i32
        %add3A_76 = arith.addi %add3A_51, %add3A_75 : i32
        %get3A_77 = arith.index_cast %add3A_76 : i32 to index
        %get3A_78 = tpu.vector_load %arg7[%get3A_77] {strides = array<i32>} : memref<4096xf32, #tpu.memory_space<vmem>>, vector<16xf32>,
        %add3A_79 = arith.addf %get3A_60, %get3A_74 : vector<16xf32>
        %mul3A_80 = arith.constant 5.000000e-01 : f32
        %mul3A_81 = vector.broadcast %mul3A_80 : f32 to vector<16xf32>
        %mul3A_82 = arith.mulf %add3A_79, %mul3A_81 : vector<16xf32>
        %sub3A = arith.subf %get3A_52, %get3A_66 : vector<16xf32>
        %abs3A = math.absf %sub3A : vector<16xf32>
        %sub3A_83 = arith.subf %mul3A_82, %abs3A : vector<16xf32>
        %min3A = arith.minimumf %get3A_60, %get3A_74 : vector<16xf32>
        %min3A_84 = arith.minimumf %sub3A_83, %min3A : vector<16xf32>
        %add3A_85 = arith.addf %get3A_64, %get3A_78 : vector<16xf32>
        %mul3A_86 = arith.constant 5.000000e-01 : f32
        %mul3A_87 = vector.broadcast %mul3A_86 : f32 to vector<16xf32>
        %mul3A_88 = arith.mulf %add3A_85, %mul3A_87 : vector<16xf32>
        %sub3A_89 = arith.subf %get3A_56, %get3A_70 : vector<16xf32>
        %abs3A_90 = math.absf %sub3A_89 : vector<16xf32>
        %sub3A_91 = arith.subf %mul3A_88, %abs3A_90 : vector<16xf32>
        %min3A_92 = arith.minimumf %get3A_64, %get3A_78 : vector<16xf32>
        %min3A_93 = arith.minimumf %sub3A_91, %min3A_92 : vector<16xf32>
        %max3A = arith.constant 0.000000e+00 : f32
        %max3A_94 = vector.broadcast %max3A : f32 to vector<16xf32>
        %max3A_95 = arith.maximumf %min3A_84, %max3A_94 : vector<16xf32>
        %max3A_96 = arith.constant 0.000000e+00 : f32
        %max3A_97 = vector.broadcast %max3A_96 : f32 to vector<16xf32>
        %max3A_98 = arith.maximumf %min3A_93, %max3A_97 : vector<16xf32>
        %mul3A_99 = arith.mulf %max3A_95, %max3A_98 : vector<16xf32>
        %mul3A_100 = arith.mulf %get3A_60, %get3A_64 : vector<16xf32>
        %mul3A_101 = arith.mulf %get3A_74, %get3A_78 : vector<16xf32>
        %add3A_102 = arith.addf %mul3A_100, %mul3A_101 : vector<16xf32>
        %sub3A_103 = arith.subf %add3A_102, %mul3A_99 : vector<16xf32>
        %div3A = arith.divf %mul3A_99, %sub3A_103 : vector<16xf32>
        %mul3A_104 = arith.mulf %div3A, %div3A : vector<16xf32>
        %sub3A_105 = arith.constant 1.000000e+00 : f32
        %sub3A_106 = vector.broadcast %sub3A_105 : f32 to vector<16xf32>
        %sub3A_107 = arith.subf %sub3A_106, %mul3A_104 : vector<16xf32>
        %mul3A_108 = arith.constant 16 : i32
        %mul3A_109 = arith.muli %scan3A_44, %mul3A_108 : i32
        %swap3A = arith.index_cast %mul3A_109 : i32 to index
        %swap3A_110 = tpu.vector_load %arg9[%swap3A] {strides = array<i32>} : memref<1024xf32, #tpu.memory_space<vmem>>, vector<16xf32>,
        tpu.vector_store %arg9[%swap3A], %sub3A_107 {strides = array<i32>} : memref<1024xf32, #tpu.memory_space<vmem>>, vector<16xf32>,
        %scan3A_111 = arith.constant 0 : i32
        %scan3A_112 = arith.constant 1 : i32
        %scan3A_113 = arith.addi %scan3A_44, %scan3A_112 : i32
        %shift_right_arithmetic3A_114 = arith.constant 3 : i32
        %shift_right_arithmetic3A_115 = arith.shrsi %scan3A_113, %shift_right_arithmetic3A_114 : i32
        %shift_left3A_116 = arith.constant 9 : i32
        %shift_left3A_117 = arith.shli %shift_right_arithmetic3A_115, %shift_left3A_116 : i32
        %and3A_118 = arith.constant 7 : i32
        %and3A_119 = arith.andi %scan3A_113, %and3A_118 : i32
        %shift_left3A_120 = arith.constant 4 : i32
        %shift_left3A_121 = arith.shli %and3A_119, %shift_left3A_120 : i32
        %add3A_122 = arith.addi %shift_left3A_117, %shift_left3A_121 : i32
        %get3A_123 = arith.index_cast %add3A_122 : i32 to index
        %get3A_124 = tpu.vector_load %arg5[%get3A_123] {strides = array<i32>} : memref<4096xf32, #tpu.memory_space<vmem>>, vector<16xf32>,
        %add3A_125 = arith.constant 128 : i32
        %add3A_126 = arith.addi %add3A_122, %add3A_125 : i32
        %get3A_127 = arith.index_cast %add3A_126 : i32 to index
        %get3A_128 = tpu.vector_load %arg5[%get3A_127] {strides = array<i32>} : memref<4096xf32, #tpu.memory_space<vmem>>, vector<16xf32>,
        %add3A_129 = arith.constant 256 : i32
        %add3A_130 = arith.addi %add3A_122, %add3A_129 : i32
        %get3A_131 = arith.index_cast %add3A_130 : i32 to index
        %get3A_132 = tpu.vector_load %arg5[%get3A_131] {strides = array<i32>} : memref<4096xf32, #tpu.memory_space<vmem>>, vector<16xf32>,
        %add3A_133 = arith.constant 384 : i32
        %add3A_134 = arith.addi %add3A_122, %add3A_133 : i32
        %get3A_135 = arith.index_cast %add3A_134 : i32 to index
        %get3A_136 = tpu.vector_load %arg5[%get3A_135] {strides = array<i32>} : memref<4096xf32, #tpu.memory_space<vmem>>, vector<16xf32>,
        %get3A_137 = arith.index_cast %add3A_122 : i32 to index
        %get3A_138 = tpu.vector_load %arg7[%get3A_137] {strides = array<i32>} : memref<4096xf32, #tpu.memory_space<vmem>>, vector<16xf32>,
        %add3A_139 = arith.constant 128 : i32
        %add3A_140 = arith.addi %add3A_122, %add3A_139 : i32
        %get3A_141 = arith.index_cast %add3A_140 : i32 to index
        %get3A_142 = tpu.vector_load %arg7[%get3A_141] {strides = array<i32>} : memref<4096xf32, #tpu.memory_space<vmem>>, vector<16xf32>,
        %add3A_143 = arith.constant 256 : i32
        %add3A_144 = arith.addi %add3A_122, %add3A_143 : i32
        %get3A_145 = arith.index_cast %add3A_144 : i32 to index
        %get3A_146 = tpu.vector_load %arg7[%get3A_145] {strides = array<i32>} : memref<4096xf32, #tpu.memory_space<vmem>>, vector<16xf32>,
        %add3A_147 = arith.constant 384 : i32
        %add3A_148 = arith.addi %add3A_122, %add3A_147 : i32
        %get3A_149 = arith.index_cast %add3A_148 : i32 to index
        %get3A_150 = tpu.vector_load %arg7[%get3A_149] {strides = array<i32>} : memref<4096xf32, #tpu.memory_space<vmem>>, vector<16xf32>,
        %add3A_151 = arith.addf %get3A_132, %get3A_146 : vector<16xf32>
        %mul3A_152 = arith.constant 5.000000e-01 : f32
        %mul3A_153 = vector.broadcast %mul3A_152 : f32 to vector<16xf32>
        %mul3A_154 = arith.mulf %add3A_151, %mul3A_153 : vector<16xf32>
        %sub3A_155 = arith.subf %get3A_124, %get3A_138 : vector<16xf32>
        %abs3A_156 = math.absf %sub3A_155 : vector<16xf32>
        %sub3A_157 = arith.subf %mul3A_154, %abs3A_156 : vector<16xf32>
        %min3A_158 = arith.minimumf %get3A_132, %get3A_146 : vector<16xf32>
        %min3A_159 = arith.minimumf %sub3A_157, %min3A_158 : vector<16xf32>
        %add3A_160 = arith.addf %get3A_136, %get3A_150 : vector<16xf32>
        %mul3A_161 = arith.constant 5.000000e-01 : f32
        %mul3A_162 = vector.broadcast %mul3A_161 : f32 to vector<16xf32>
        %mul3A_163 = arith.mulf %add3A_160, %mul3A_162 : vector<16xf32>
        %sub3A_164 = arith.subf %get3A_128, %get3A_142 : vector<16xf32>
        %abs3A_165 = math.absf %sub3A_164 : vector<16xf32>
        %sub3A_166 = arith.subf %mul3A_163, %abs3A_165 : vector<16xf32>
        %min3A_167 = arith.minimumf %get3A_136, %get3A_150 : vector<16xf32>
        %min3A_168 = arith.minimumf %sub3A_166, %min3A_167 : vector<16xf32>
        %max3A_169 = arith.constant 0.000000e+00 : f32
        %max3A_170 = vector.broadcast %max3A_169 : f32 to vector<16xf32>
        %max3A_171 = arith.maximumf %min3A_159, %max3A_170 : vector<16xf32>
        %max3A_172 = arith.constant 0.000000e+00 : f32
        %max3A_173 = vector.broadcast %max3A_172 : f32 to vector<16xf32>
        %max3A_174 = arith.maximumf %min3A_168, %max3A_173 : vector<16xf32>
        %mul3A_175 = arith.mulf %max3A_171, %max3A_174 : vector<16xf32>
        %mul3A_176 = arith.mulf %get3A_132, %get3A_136 : vector<16xf32>
        %mul3A_177 = arith.mulf %get3A_146, %get3A_150 : vector<16xf32>
        %add3A_178 = arith.addf %mul3A_176, %mul3A_177 : vector<16xf32>
        %sub3A_179 = arith.subf %add3A_178, %mul3A_175 : vector<16xf32>
        %div3A_180 = arith.divf %mul3A_175, %sub3A_179 : vector<16xf32>
        %mul3A_181 = arith.mulf %div3A_180, %div3A_180 : vector<16xf32>
        %sub3A_182 = arith.constant 1.000000e+00 : f32
        %sub3A_183 = vector.broadcast %sub3A_182 : f32 to vector<16xf32>
        %sub3A_184 = arith.subf %sub3A_183, %mul3A_181 : vector<16xf32>
        %mul3A_185 = arith.constant 16 : i32
        %mul3A_186 = arith.muli %scan3A_113, %mul3A_185 : i32
        %swap3A_187 = arith.index_cast %mul3A_186 : i32 to index
        %swap3A_188 = tpu.vector_load %arg9[%swap3A_187] {strides = array<i32>} : memref<1024xf32, #tpu.memory_space<vmem>>, vector<16xf32>,
        tpu.vector_store %arg9[%swap3A_187], %sub3A_184 {strides = array<i32>} : memref<1024xf32, #tpu.memory_space<vmem>>, vector<16xf32>,
        %scan3A_189 = arith.constant 0 : i32
        %scan3A_190 = arith.constant 2 : i32
        %scan3A_191 = arith.addi %scan3A_44, %scan3A_190 : i32
        %shift_right_arithmetic3A_192 = arith.constant 3 : i32
        %shift_right_arithmetic3A_193 = arith.shrsi %scan3A_191, %shift_right_arithmetic3A_192 : i32
        %shift_left3A_194 = arith.constant 9 : i32
        %shift_left3A_195 = arith.shli %shift_right_arithmetic3A_193, %shift_left3A_194 : i32
        %and3A_196 = arith.constant 7 : i32
        %and3A_197 = arith.andi %scan3A_191, %and3A_196 : i32
        %shift_left3A_198 = arith.constant 4 : i32
        %shift_left3A_199 = arith.shli %and3A_197, %shift_left3A_198 : i32
        %add3A_200 = arith.addi %shift_left3A_195, %shift_left3A_199 : i32
        %get3A_201 = arith.index_cast %add3A_200 : i32 to index
        %get3A_202 = tpu.vector_load %arg5[%get3A_201] {strides = array<i32>} : memref<4096xf32, #tpu.memory_space<vmem>>, vector<16xf32>,
        %add3A_203 = arith.constant 128 : i32
        %add3A_204 = arith.addi %add3A_200, %add3A_203 : i32
        %get3A_205 = arith.index_cast %add3A_204 : i32 to index
        %get3A_206 = tpu.vector_load %arg5[%get3A_205] {strides = array<i32>} : memref<4096xf32, #tpu.memory_space<vmem>>, vector<16xf32>,
        %add3A_207 = arith.constant 256 : i32
        %add3A_208 = arith.addi %add3A_200, %add3A_207 : i32
        %get3A_209 = arith.index_cast %add3A_208 : i32 to index
        %get3A_210 = tpu.vector_load %arg5[%get3A_209] {strides = array<i32>} : memref<4096xf32, #tpu.memory_space<vmem>>, vector<16xf32>,
        %add3A_211 = arith.constant 384 : i32
        %add3A_212 = arith.addi %add3A_200, %add3A_211 : i32
        %get3A_213 = arith.index_cast %add3A_212 : i32 to index
        %get3A_214 = tpu.vector_load %arg5[%get3A_213] {strides = array<i32>} : memref<4096xf32, #tpu.memory_space<vmem>>, vector<16xf32>,
        %get3A_215 = arith.index_cast %add3A_200 : i32 to index
        %get3A_216 = tpu.vector_load %arg7[%get3A_215] {strides = array<i32>} : memref<4096xf32, #tpu.memory_space<vmem>>, vector<16xf32>,
        %add3A_217 = arith.constant 128 : i32
        %add3A_218 = arith.addi %add3A_200, %add3A_217 : i32
        %get3A_219 = arith.index_cast %add3A_218 : i32 to index
        %get3A_220 = tpu.vector_load %arg7[%get3A_219] {strides = array<i32>} : memref<4096xf32, #tpu.memory_space<vmem>>, vector<16xf32>,
        %add3A_221 = arith.constant 256 : i32
        %add3A_222 = arith.addi %add3A_200, %add3A_221 : i32
        %get3A_223 = arith.index_cast %add3A_222 : i32 to index
        %get3A_224 = tpu.vector_load %arg7[%get3A_223] {strides = array<i32>} : memref<4096xf32, #tpu.memory_space<vmem>>, vector<16xf32>,
        %add3A_225 = arith.constant 384 : i32
        %add3A_226 = arith.addi %add3A_200, %add3A_225 : i32
        %get3A_227 = arith.index_cast %add3A_226 : i32 to index
        %get3A_228 = tpu.vector_load %arg7[%get3A_227] {strides = array<i32>} : memref<4096xf32, #tpu.memory_space<vmem>>, vector<16xf32>,
        %add3A_229 = arith.addf %get3A_210, %get3A_224 : vector<16xf32>
        %mul3A_230 = arith.constant 5.000000e-01 : f32
        %mul3A_231 = vector.broadcast %mul3A_230 : f32 to vector<16xf32>
        %mul3A_232 = arith.mulf %add3A_229, %mul3A_231 : vector<16xf32>
        %sub3A_233 = arith.subf %get3A_202, %get3A_216 : vector<16xf32>
        %abs3A_234 = math.absf %sub3A_233 : vector<16xf32>
        %sub3A_235 = arith.subf %mul3A_232, %abs3A_234 : vector<16xf32>
        %min3A_236 = arith.minimumf %get3A_210, %get3A_224 : vector<16xf32>
        %min3A_237 = arith.minimumf %sub3A_235, %min3A_236 : vector<16xf32>
        %add3A_238 = arith.addf %get3A_214, %get3A_228 : vector<16xf32>
        %mul3A_239 = arith.constant 5.000000e-01 : f32
        %mul3A_240 = vector.broadcast %mul3A_239 : f32 to vector<16xf32>
        %mul3A_241 = arith.mulf %add3A_238, %mul3A_240 : vector<16xf32>
        %sub3A_242 = arith.subf %get3A_206, %get3A_220 : vector<16xf32>
        %abs3A_243 = math.absf %sub3A_242 : vector<16xf32>
        %sub3A_244 = arith.subf %mul3A_241, %abs3A_243 : vector<16xf32>
        %min3A_245 = arith.minimumf %get3A_214, %get3A_228 : vector<16xf32>
        %min3A_246 = arith.minimumf %sub3A_244, %min3A_245 : vector<16xf32>
        %max3A_247 = arith.constant 0.000000e+00 : f32
        %max3A_248 = vector.broadcast %max3A_247 : f32 to vector<16xf32>
        %max3A_249 = arith.maximumf %min3A_237, %max3A_248 : vector<16xf32>
        %max3A_250 = arith.constant 0.000000e+00 : f32
        %max3A_251 = vector.broadcast %max3A_250 : f32 to vector<16xf32>
        %max3A_252 = arith.maximumf %min3A_246, %max3A_251 : vector<16xf32>
        %mul3A_253 = arith.mulf %max3A_249, %max3A_252 : vector<16xf32>
        %mul3A_254 = arith.mulf %get3A_210, %get3A_214 : vector<16xf32>
        %mul3A_255 = arith.mulf %get3A_224, %get3A_228 : vector<16xf32>
        %add3A_256 = arith.addf %mul3A_254, %mul3A_255 : vector<16xf32>
        %sub3A_257 = arith.subf %add3A_256, %mul3A_253 : vector<16xf32>
        %div3A_258 = arith.divf %mul3A_253, %sub3A_257 : vector<16xf32>
        %mul3A_259 = arith.mulf %div3A_258, %div3A_258 : vector<16xf32>
        %sub3A_260 = arith.constant 1.000000e+00 : f32
        %sub3A_261 = vector.broadcast %sub3A_260 : f32 to vector<16xf32>
        %sub3A_262 = arith.subf %sub3A_261, %mul3A_259 : vector<16xf32>
        %mul3A_263 = arith.constant 16 : i32
        %mul3A_264 = arith.muli %scan3A_191, %mul3A_263 : i32
        %swap3A_265 = arith.index_cast %mul3A_264 : i32 to index
        %swap3A_266 = tpu.vector_load %arg9[%swap3A_265] {strides = array<i32>} : memref<1024xf32, #tpu.memory_space<vmem>>, vector<16xf32>,
        tpu.vector_store %arg9[%swap3A_265], %sub3A_262 {strides = array<i32>} : memref<1024xf32, #tpu.memory_space<vmem>>, vector<16xf32>,
        %scan3A_267 = arith.constant 0 : i32
        %scan3A_268 = arith.constant 3 : i32
        %scan3A_269 = arith.addi %scan3A_44, %scan3A_268 : i32
        %shift_right_arithmetic3A_270 = arith.constant 3 : i32
        %shift_right_arithmetic3A_271 = arith.shrsi %scan3A_269, %shift_right_arithmetic3A_270 : i32
        %shift_left3A_272 = arith.constant 9 : i32
        %shift_left3A_273 = arith.shli %shift_right_arithmetic3A_271, %shift_left3A_272 : i32
        %and3A_274 = arith.constant 7 : i32
        %and3A_275 = arith.andi %scan3A_269, %and3A_274 : i32
        %shift_left3A_276 = arith.constant 4 : i32
        %shift_left3A_277 = arith.shli %and3A_275, %shift_left3A_276 : i32
        %add3A_278 = arith.addi %shift_left3A_273, %shift_left3A_277 : i32
        %get3A_279 = arith.index_cast %add3A_278 : i32 to index
        %get3A_280 = tpu.vector_load %arg5[%get3A_279] {strides = array<i32>} : memref<4096xf32, #tpu.memory_space<vmem>>, vector<16xf32>,
        %add3A_281 = arith.constant 128 : i32
        %add3A_282 = arith.addi %add3A_278, %add3A_281 : i32
        %get3A_283 = arith.index_cast %add3A_282 : i32 to index
        %get3A_284 = tpu.vector_load %arg5[%get3A_283] {strides = array<i32>} : memref<4096xf32, #tpu.memory_space<vmem>>, vector<16xf32>,
        %add3A_285 = arith.constant 256 : i32
        %add3A_286 = arith.addi %add3A_278, %add3A_285 : i32
        %get3A_287 = arith.index_cast %add3A_286 : i32 to index
        %get3A_288 = tpu.vector_load %arg5[%get3A_287] {strides = array<i32>} : memref<4096xf32, #tpu.memory_space<vmem>>, vector<16xf32>,
        %add3A_289 = arith.constant 384 : i32
        %add3A_290 = arith.addi %add3A_278, %add3A_289 : i32
        %get3A_291 = arith.index_cast %add3A_290 : i32 to index
        %get3A_292 = tpu.vector_load %arg5[%get3A_291] {strides = array<i32>} : memref<4096xf32, #tpu.memory_space<vmem>>, vector<16xf32>,
        %get3A_293 = arith.index_cast %add3A_278 : i32 to index
        %get3A_294 = tpu.vector_load %arg7[%get3A_293] {strides = array<i32>} : memref<4096xf32, #tpu.memory_space<vmem>>, vector<16xf32>,
        %add3A_295 = arith.constant 128 : i32
        %add3A_296 = arith.addi %add3A_278, %add3A_295 : i32
        %get3A_297 = arith.index_cast %add3A_296 : i32 to index
        %get3A_298 = tpu.vector_load %arg7[%get3A_297] {strides = array<i32>} : memref<4096xf32, #tpu.memory_space<vmem>>, vector<16xf32>,
        %add3A_299 = arith.constant 256 : i32
        %add3A_300 = arith.addi %add3A_278, %add3A_299 : i32
        %get3A_301 = arith.index_cast %add3A_300 : i32 to index
        %get3A_302 = tpu.vector_load %arg7[%get3A_301] {strides = array<i32>} : memref<4096xf32, #tpu.memory_space<vmem>>, vector<16xf32>,
        %add3A_303 = arith.constant 384 : i32
        %add3A_304 = arith.addi %add3A_278, %add3A_303 : i32
        %get3A_305 = arith.index_cast %add3A_304 : i32 to index
        %get3A_306 = tpu.vector_load %arg7[%get3A_305] {strides = array<i32>} : memref<4096xf32, #tpu.memory_space<vmem>>, vector<16xf32>,
        %add3A_307 = arith.addf %get3A_288, %get3A_302 : vector<16xf32>
        %mul3A_308 = arith.constant 5.000000e-01 : f32
        %mul3A_309 = vector.broadcast %mul3A_308 : f32 to vector<16xf32>
        %mul3A_310 = arith.mulf %add3A_307, %mul3A_309 : vector<16xf32>
        %sub3A_311 = arith.subf %get3A_280, %get3A_294 : vector<16xf32>
        %abs3A_312 = math.absf %sub3A_311 : vector<16xf32>
        %sub3A_313 = arith.subf %mul3A_310, %abs3A_312 : vector<16xf32>
        %min3A_314 = arith.minimumf %get3A_288, %get3A_302 : vector<16xf32>
        %min3A_315 = arith.minimumf %sub3A_313, %min3A_314 : vector<16xf32>
        %add3A_316 = arith.addf %get3A_292, %get3A_306 : vector<16xf32>
        %mul3A_317 = arith.constant 5.000000e-01 : f32
        %mul3A_318 = vector.broadcast %mul3A_317 : f32 to vector<16xf32>
        %mul3A_319 = arith.mulf %add3A_316, %mul3A_318 : vector<16xf32>
        %sub3A_320 = arith.subf %get3A_284, %get3A_298 : vector<16xf32>
        %abs3A_321 = math.absf %sub3A_320 : vector<16xf32>
        %sub3A_322 = arith.subf %mul3A_319, %abs3A_321 : vector<16xf32>
        %min3A_323 = arith.minimumf %get3A_292, %get3A_306 : vector<16xf32>
        %min3A_324 = arith.minimumf %sub3A_322, %min3A_323 : vector<16xf32>
        %max3A_325 = arith.constant 0.000000e+00 : f32
        %max3A_326 = vector.broadcast %max3A_325 : f32 to vector<16xf32>
        %max3A_327 = arith.maximumf %min3A_315, %max3A_326 : vector<16xf32>
        %max3A_328 = arith.constant 0.000000e+00 : f32
        %max3A_329 = vector.broadcast %max3A_328 : f32 to vector<16xf32>
        %max3A_330 = arith.maximumf %min3A_324, %max3A_329 : vector<16xf32>
        %mul3A_331 = arith.mulf %max3A_327, %max3A_330 : vector<16xf32>
        %mul3A_332 = arith.mulf %get3A_288, %get3A_292 : vector<16xf32>
        %mul3A_333 = arith.mulf %get3A_302, %get3A_306 : vector<16xf32>
        %add3A_334 = arith.addf %mul3A_332, %mul3A_333 : vector<16xf32>
        %sub3A_335 = arith.subf %add3A_334, %mul3A_331 : vector<16xf32>
        %div3A_336 = arith.divf %mul3A_331, %sub3A_335 : vector<16xf32>
        %mul3A_337 = arith.mulf %div3A_336, %div3A_336 : vector<16xf32>
        %sub3A_338 = arith.constant 1.000000e+00 : f32
        %sub3A_339 = vector.broadcast %sub3A_338 : f32 to vector<16xf32>
        %sub3A_340 = arith.subf %sub3A_339, %mul3A_337 : vector<16xf32>
        %mul3A_341 = arith.constant 16 : i32
        %mul3A_342 = arith.muli %scan3A_269, %mul3A_341 : i32
        %swap3A_343 = arith.index_cast %mul3A_342 : i32 to index
        %swap3A_344 = tpu.vector_load %arg9[%swap3A_343] {strides = array<i32>} : memref<1024xf32, #tpu.memory_space<vmem>>, vector<16xf32>,
        tpu.vector_store %arg9[%swap3A_343], %sub3A_340 {strides = array<i32>} : memref<1024xf32, #tpu.memory_space<vmem>>, vector<16xf32>,
        %scan3A_345 = arith.constant 0 : i32
        scf.yield %scan3A_345 : i32
      }
      %scan3A_41 = arith.constant 8 : i32
      %mul3A_42 = arith.constant 128 : i32
      %mul3A_43 = arith.muli %add3A_30, %mul3A_42 : i32
      "tpu.region"() ({
        %run_scoped3A = tpu.sem_alloc : memref<!tpu.dma_semaphore, #tpu.memory_space<semaphore_mem>>
        %dma_start3A_44 = arith.constant 0 : i32
        %dma_start3A_45 = tpu.memref_slice %arg9[%dma_start3A_44] : memref<1024xf32, #tpu.memory_space<vmem>> -> memref<128xf32, #tpu.memory_space<vmem>>
        %dma_start3A_46 = tpu.memref_slice %arg4[%mul3A_43] : memref<4000000xf32, #tpu.memory_space<hbm>> -> memref<128xf32, #tpu.memory_space<hbm>>
        %dma_start3A_47 = tpu.memref_slice %arg4[%mul3A_43] : memref<4000000xf32, #tpu.memory_space<hbm>> -> memref<128xf32, #tpu.memory_space<hbm>>
        %dma_start3A_48 = arith.constant 0 : i32
        %dma_start3A_49 = tpu.memref_slice %arg9[%dma_start3A_48] : memref<1024xf32, #tpu.memory_space<vmem>> -> memref<128xf32, #tpu.memory_space<vmem>>
        tpu.enqueue_dma source(%dma_start3A_49 : memref<128xf32, #tpu.memory_space<vmem>>) target(%dma_start3A_47 : memref<128xf32, #tpu.memory_space<hbm>>) target_semaphore(%run_scoped3A : memref<!tpu.dma_semaphore, #tpu.memory_space<semaphore_mem>>)
        %dma_wait3A_50 = arith.constant 0 : i32
        %dma_wait3A_51 = tpu.memref_slice %arg9[%dma_wait3A_50] : memref<1024xf32, #tpu.memory_space<vmem>> -> memref<128xf32, #tpu.memory_space<vmem>>
        %dma_wait3A_52 = tpu.memref_slice %arg4[%mul3A_43] : memref<4000000xf32, #tpu.memory_space<hbm>> -> memref<128xf32, #tpu.memory_space<hbm>>
        %dma_wait3A_53 = tpu.memref_slice %arg4[%mul3A_43] : memref<4000000xf32, #tpu.memory_space<hbm>> -> memref<128xf32, #tpu.memory_space<hbm>>
        %dma_wait3A_54 = arith.constant 0 : i32
        %dma_wait3A_55 = tpu.memref_slice %arg9[%dma_wait3A_54] : memref<1024xf32, #tpu.memory_space<vmem>> -> memref<128xf32, #tpu.memory_space<vmem>>
        tpu.wait_dma2 semaphore(%run_scoped3A : memref<!tpu.dma_semaphore, #tpu.memory_space<semaphore_mem>>) src(%dma_wait3A_55 : memref<128xf32, #tpu.memory_space<vmem>>) dst(%dma_wait3A_53 : memref<128xf32, #tpu.memory_space<hbm>>)
        tpu.yield
      }) : () -> ()
    } else {
    }
    return
  }
}

</mosaic_0001>

<sc_bundles>
// kernel: kernel.3.cloned.1.call-start
scs
__scs_entry_jumppad:
0x0: {  	(pc) =	sbr.rel $0x88, $3  }
0x1: {  	(tag) =	ssettag $0x0;
	lr =	simm.s32 $0x1  }
0x2: {  	[smem:$0x3F9F] =	sst lr;
	_ =	strace $0xD0000000  }
0x3: {  	_ = 	snop  }
0x4: {  	_ = 	snop  }
0x5: {  	_ = 	snop  }
0x6: {  	_ = 	snop  }
0x7: {  	_ = 	snop  }
__scs_overlays_trampoline_lowered:
0x8: {  	[smem:$0x3FAE] =	sst s0  }
0x9: {  	[smem:$0x3FAF] =	sst s1  }
0xa: {  	[smem:$0x3FB0] =	sst s2  }
0xb: {  	[smem:$0x3FB1] =	sst s3  }
0xc: {  	[smem:$0x3FB2] =	sst s4  }
0xd: {  	[smem:$0x3FB3] =	sst s5  }
0xe: {  	[smem:$0x3FB4] =	sst s6  }
0xf: {  	[smem:$0x3FB5] =	sst s7  }
0x10: {  	[smem:$0x3FB6] =	sst s8  }
0x11: {  	[smem:$0x3FB7] =	sst s9;
	s0 =	simm.s32 @!p0 $0x0  }
0x12: {  	s1 =	sld [smem:$0x3F9D];
	s0 =	simm.s32 @p0 $0x1  }
0x13: {  	[smem:$0x3FB8] =	sst s0;
	s0 =	simm.s32 @!p1 $0x0  }
0x14: {  	s2 =	sld [smem:$0x3F9C];
	s0 =	simm.s32 @p1 $0x1  }
0x15: {  	[smem:$0x3FB9] =	sst s0;
	s0 =	simm.s32 @!p2 $0x0  }
0x16: {  	s3 =	sld [smem:$0x3FDB];
	s0 =	simm.s32 @p2 $0x1  }
0x17: {  	s4 =	simm.s32 $0x1BF5;
	[smem:$0x3FBB] =	sst s0  }
0x18: {  	s0 =	sld [smem:$0x3F9E];
	_ =	swait.ge [sflag:s4], $0x0  }
0x19: {  	s7 =	sld [smem:$0x3F9F]  }
0x1a: {  	s8 =	sadd.s32 $0xFFFFE003, lr  }
0x1b: {  	s9 =	sadd.s32 $0xFFFFFEF7, lr;
	s5 =	simm.s32 $0xFFFFFFFF;
	p2 =	slt.u32 s8, $0xFFFFF086  }
0x1c: {  	p1 =	slt.u32 s9, $0xF7A;
	s5 =	simm.s32 @!p2 $0x0  }
0x1d: {  	s5 =	simm.s32 @p1 $0x1;
	p0 =	seq.s32 s7, s2  }
0x1e: {  	s7 =	smul.u32 @!p0 $0xF7A, s2;
	p2 =	seq.s32 @!p0 s5, $0x0  }
0x1f: {  	s9 =	smul.u32 $0xF7A, s1;
	s8 =	simm.s32 @!p0 $0x1BF5;
	p2 =	por !p2, p0  }
0x20: {  	[sflag:s8] =	ssyncset.s32 @!p0 $0xFFFFF086;
	s6 =	sadd.s32 @!p0 s3, s7;
	s7 =	simm.s32 @!p0 $0x108  }
0x21: {  	s3 =	sadd.s32 s3, s9;
	s6 =	sadd.s32 @!p0 $0x88, s6;
	s7 =	simm.s32 @p2 $0x1082  }
0x22: {  	[simem:s7], [sflag:s8] =	dma.local @!p0 [hbm:s6], $0xF7A  }
0x23: {  	s9 =	sor.u32 $0xD0000000, s2;
	s6 =	simm.s32 $0x108;
	_ =	swait.ge @!p0 [sflag:s8], $0x0  }
0x24: {  	s3 =	sadd.s32 $0x88, s3;
	s6 =	simm.s32 @!p1 $0x1082;
	[sflag:s4] =	ssyncset.s32 $0xFFFFF086  }
0x25: {  	[simem:s6], [sflag:s4] =	dma.local [hbm:s3], $0xF7A  }
0x26: {  	[smem:$0x3F9F] =	sst s1;
	(tag) =	ssettag s2;
	_ =	strace s9  }
0x27: {  	s1 =	sld [smem:$0x3FAF]  }
0x28: {  	s2 =	sld [smem:$0x3FB0]  }
0x29: {  	s4 =	sld [smem:$0x3FB2]  }
0x2a: {  	p0 =	seq.s32 s5, $0x0;
	s5 =	sld [smem:$0x3FB3]  }
0x2b: {  	s6 =	sld [smem:$0x3FB4]  }
0x2c: {  	s7 =	sld [smem:$0x3FB5]  }
0x2d: {  	s3 =	simm.s32 $0x108;
	s8 =	sld [smem:$0x3FB6]  }
0x2e: {  	s3 =	simm.s32 @!p0 $0x1082;
	s9 =	sld [smem:$0x3FB7]  }
0x2f: {  	lr =	sadd.s32 s0, s3;
	s0 =	sld [smem:$0x3FAE]  }
0x30: {  	s3 =	sld [smem:$0x3FB1]  }
0x31: {  	[smem:$0x3FBA] =	sst s10  }
0x32: {  	s10 =	sld [smem:$0x3FB8];
	_ =	sdelay $0x3  }
0x33: {  	p0 =	seq.s32 s10, $0x1;
	s10 =	sld [smem:$0x3FBA];
	_ =	sdelay $0x3  }
0x34: {  	[smem:$0x3FBA] =	sst s10  }
0x35: {  	s10 =	sld [smem:$0x3FB9];
	_ =	sdelay $0x3  }
0x36: {  	p1 =	seq.s32 s10, $0x1;
	s10 =	sld [smem:$0x3FBA];
	_ =	sdelay $0x3  }
0x37: {  	[smem:$0x3FBA] =	sst s10  }
0x38: {  	s10 =	sld [smem:$0x3FBB]  }
0x39: {  	_ = 	snop;
	(pc) =	sbr.ind lr, $3  }
0x3a: {  	_ = 	snop  }
0x3b: {  	_ = 	snop  }
0x3c: {  	p2 =	seq.s32 s10, $0x1;
	s10 =	sld [smem:$0x3FBA]  }
0x3d: {  	_ =	shalt  }
0x3e: {  	_ =	shalt  }
0x3f: {  	_ =	shalt  }
0x40: {  	_ =	shalt  }
0x41: {  	_ =	shalt  }
0x42: {  	_ =	shalt  }
0x43: {  	_ =	shalt  }
0x44: {  	_ =	shalt  }
0x45: {  	_ =	shalt  }
0x46: {  	_ =	shalt  }
0x47: {  	_ =	shalt  }
0x48: {  	_ =	shalt  }
0x49: {  	_ =	shalt  }
0x4a: {  	_ =	shalt  }
0x4b: {  	_ =	shalt  }
0x4c: {  	_ =	shalt  }
0x4d: {  	_ =	shalt  }
0x4e: {  	_ =	shalt  }
0x4f: {  	_ =	shalt  }
0x50: {  	_ =	shalt  }
0x51: {  	_ =	shalt  }
0x52: {  	_ =	shalt  }
0x53: {  	_ =	shalt  }
0x54: {  	_ =	shalt  }
0x55: {  	_ =	shalt  }
0x56: {  	_ =	shalt  }
0x57: {  	_ =	shalt  }
0x58: {  	_ =	shalt  }
0x59: {  	_ =	shalt  }
0x5a: {  	_ =	shalt  }
0x5b: {  	_ =	shalt  }
0x5c: {  	_ =	shalt  }
0x5d: {  	_ =	shalt  }
0x5e: {  	_ =	shalt  }
0x5f: {  	_ =	shalt  }
0x60: {  	_ =	shalt  }
0x61: {  	_ =	shalt  }
0x62: {  	_ =	shalt  }
0x63: {  	_ =	shalt  }
0x64: {  	_ =	shalt  }
0x65: {  	_ =	shalt  }
0x66: {  	_ =	shalt  }
0x67: {  	_ =	shalt  }
0x68: {  	_ =	shalt  }
0x69: {  	_ =	shalt  }
0x6a: {  	_ =	shalt  }
0x6b: {  	_ =	shalt  }
0x6c: {  	_ =	shalt  }
0x6d: {  	_ =	shalt  }
0x6e: {  	_ =	shalt  }
0x6f: {  	_ =	shalt  }
0x70: {  	_ =	shalt  }
0x71: {  	_ =	shalt  }
0x72: {  	_ =	shalt  }
0x73: {  	_ =	shalt  }
0x74: {  	_ =	shalt  }
0x75: {  	_ =	shalt  }
0x76: {  	_ =	shalt  }
0x77: {  	_ =	shalt  }
0x78: {  	_ =	shalt  }
0x79: {  	_ =	shalt  }
0x7a: {  	_ =	shalt  }
0x7b: {  	_ =	shalt  }
0x7c: {  	_ =	shalt  }
0x7d: {  	_ =	shalt  }
0x7e: {  	_ =	shalt  }
0x7f: {  	_ =	shalt  }
0x80: {  	_ =	shalt  }
0x81: {  	_ =	shalt  }
0x82: {  	_ =	shalt  }
0x83: {  	_ =	shalt  }
0x84: {  	_ =	shalt  }
0x85: {  	_ =	shalt  }
0x86: {  	_ =	shalt  }
0x87: {  	_ =	shalt  }
.Lfunc_end0:
.L_simem_size_0:
called_computation.2_lowered:
.L_overlay_start_0:
0x88: {  	s2 =	sld [smem:$0x3FD9]  }
0x89: {  	s3 =	sld [smem:$0x3FFE];
	_ =	sdelay $0x1  }
0x8a: {  	s1 =	srdreg.scid  }
0x8b: {  	s0 =	sand.u32 $0x1, s1  }
0x8c: {  	s17 =	sshll.u32 s0, $0xA;
	s2 =	sadd.s32 s3, s2  }
0x8d: {  	s2 =	sadd.s32 s2, s17  }
0x8e: {  	[smem:$0x3FC6] =	sst s2  }
0x8f: {  	_ = 	snop  }
0x90: {  	s2 =	sld [smem:$0x3FD0];
	(tm) =	ssettm $0x1  }
0x91: {  	s18 =	sld [smem:$0x3FFB];
	_ =	sdelay $0x3  }
0x92: {  	_ =	strace s18  }
0x93: {  	s3 =	sld [smem:$0x3FFC];
	_ =	sdelay $0x3  }
0x94: {  	_ =	strace s3  }
0x95: {  	s3 =	sld [smem:$0x3FFD];
	_ =	sdelay $0x3  }
0x96: {  	_ =	strace s3  }
0x97: {  	_ =	strace $0x8FFFFFFF  }
0x98: {  	s19 =	sld [smem:$0x3FDB];
	_ =	sdelay $0x1  }
0x99: {  	s4 =	simm.s32 $_scs_section_size  }
0x9a: {  	s5 =	simm.s32 $_size__tile_overlayer_lowered;
	s6 =	simm.s32 $_tile_overlayer_lowered  }
0x9b: {  	s22 =	simm.s32 $0x1BFF;
	s21 =	sshll.u32 s6, $0x1;
	s3 =	sadd.s32 s4, s19  }
0x9c: {  	s7 =	simm.s32 $0x0;
	s20 =	sshll.u32 s5, $0x1;
	s5 =	sadd.s32 s21, s3  }
0x9d: {  	[timem:s7], [sflag:s22] =	dma.local [hbm:s5], s20  }
0x9e: {  	_ =	swait.ge [sflag:s22], s20  }
0x9f: {  	s4 =	ssub.s32 $0x0, s20;
	[sflag:s22] =	ssyncset.done $0x0  }
0xa0: {  	[sflag:s22] =	ssyncadd.s32 s4;
	_ =	sdelay $0x1  }
0xa1: {  	s23 =	simm.s32 $0x1B8B  }
0xa2: {  	_ =	swait.ge [sflag:s23], $0x1  }
0xa3: {  	[sflag:s23] =	ssyncset.done $0x0  }
0xa4: {  	s25 =	simm.s32 $0x1B8E;
	s24 =	sld [smem:$0x3FFE];
	[sflag:s23] =	ssyncadd.s32 $0xFFFFFFFF  }
0xa5: {  	s26 =	simm.s32 $execute0_lowered;
	[smem:$0x3FD2] =	sst s25  }
0xa6: {  	s5 =	sshll.u32 s26, $0x1;
	_ =	strace $0x8000004C;
	[dreg:$0x1] =	wrdreg $0xFFFFFFFF  }
0xa7: {  	s28 =	simm.s32 $_size_execute0_lowered;
	s3 =	sadd.s32 s3, s5;
	[dreg:$0x0] =	wrdreg $0x0  }
0xa8: {  	s5 =	sshll.u32 s28, $0x1;
	[dreg:$0x2] =	wrdreg s3  }
0xa9: {  	[dreg:$0x3] =	wrdreg s5  }
0xaa: {  	[dreg:$0x4] =	wrdreg $0xC0  }
0xab: {  	_ =	task [dreg:s7], $0x5FFFF  }
0xac: {  	[dreg:$0x1] =	wrdreg $0xFFFFFFFF  }
0xad: {  	[dreg:$0x0] =	wrdreg $0x60  }
0xae: {  	[dreg:$0x2] =	wrdreg s24  }
0xaf: {  	[dreg:$0x3] =	wrdreg s2  }
0xb0: {  	[dreg:$0x4] =	wrdreg $0x9  }
0xb1: {  	_ =	task.clear_ibuf [dreg:s7], $0x5FFFF;
	_ =	strace $0x9000004C  }
0xb2: {  	s29 =	simm.s32 $0x9;
	_ =	strace $0x8000004E  }
0xb3: {  	_ =	swait.ge [sflag:s29], $0x1  }
0xb4: {  	[sflag:s29] =	ssyncadd.s32 $0xFFFFFFFF  }
0xb5: {  	_ =	strace $0x9000004E  }
0xb6: {  	_ =	sfence  }
0xb7: {  	s30 =	sld [smem:$0x0];
	_ =	sdelay $0x2  }
0xb8: {  	s31 =	sshll.u32 s1, $0xD;
	s1 =	sshrl.u32 s1, $0x2  }
0xb9: {  	s3 =	sand.u32 $0x4000, s31;
	s1 =	sadd.s32 s1, s30  }
0xba: {  	s0 =	sor.u32 s3, s0;
	s1 =	sshll.u32 s1, $0x11  }
0xbb: {  	s0 =	sor.u32 s1, s0  }
0xbc: {  	s0 =	sadd.s32 $0x8F2B, s0  }
0xbd: {  	[sflag:s0] =	ssyncadd.remote.s32 $0x1  }
0xbe: {  	_ =	sfence.sel $0xFFFF  }
0xbf: {  	[dreg:$0x0] =	wrdreg $0xFFFFFFFF;
	(pc) =	sbr.abs _section_cstart, $3  }
0xc0: {  	[dreg:$0x1] =	wrdreg $0xFFFFFFFF  }
0xc1: {  	_ =	task.clear_ibuf [dreg:s7], $0x2FFFF;
	_ =	strace $0x9FFFFFFF  }
0xc2: {  	(tm) =	ssettm $0x7FFFFFFF  }
0xc3: {  	_ =	shalt  }
tec
execute0_lowered:
.L_overlay_start_1:
0x0: {  	(tag) =	ssettag $0x1  }
0x1: {  	s0 =	rddreg [dreg:$0x0]  }
0x2: {  	s2 =	rddreg [dreg:$0x1]  }
0x3: {  	s3 =	simm.s32 $0x0;
	s1 =	srdreg.scid;
	s6 =	stileid.u32  }
0x4: {  	s15 =	simm.s32 $0x2;
	s16 =	simm.s32 $0x1;
	s17 =	simm.s32 $0x4400  }
0x5: {  	s18 =	simm.s32 $0x3;
	s19 =	simm.s32 $0x4;
	s20 =	simm.s32 $0x5  }
0x6: {  	s21 =	simm.s32 $0x4000;
	s22 =	simm.s32 $0x1000;
	s23 =	simm.s32 $0x3000  }
0x7: {  	s24 =	simm.s32 $0x0;
	s1 =	sand.u32 $0x1, s1;
	s4 =	sshll.u32 s6, $0x1  }
0x8: {  	[smem:$0x7FF] =	sst s3;
	s5 =	sadd.s32 $0x5B9E00, s0;
	s9 =	sor.u32 s1, s4  }
0x9: {  	p0 =	sgt.u32 s6, $0x8;
	_ =	strace $0x8000004D;
	s7 =	smul.u32 $0xF400, s9  }
0xa: {  	s4 =	sadd.s32 $0x1E9200, s0;
	s1 =	ssub.s32 $0x2, s1;
	s8 =	smul.u32 $0x7A000, s9  }
0xb: {  	s29 =	sshrl.u32 s1, $0x1;
	s31 =	sor.u32 $0x7A00, s9;
	s9 =	smul.u32 $0x1E800, s9  }
.Ltmp0:
0xc: {  	s10 =	sshll.u32 s31, $0x6;
	s30 =	sadd.s32 s4, s7;
	(pc) =	sbr.rel .LBB2_1-.Ltmp0, $4  }
0xd: {  	s0 =	ssub.s32 s1, s29;
	s11 =	sadd.s32 s4, s10;
	[dreg:$0x3] =	wrdreg s30  }
0xe: {  	s1 =	sshll.u32 s31, $0x4;
	s10 =	sadd.s32 s5, s10;
	[dreg:$0x4] =	wrdreg s11  }
0xf: {  	s7 =	sadd.s32 s5, s7;
	s1 =	sadd.s32 s2, s1;
	[dreg:$0x5] =	wrdreg s10  }
0x10: {  	s8 =	sor.u32 $0x1000, s8;
	s13 =	smax.u32 s0, $0x1;
	[dreg:$0x6] =	wrdreg s1  }
.LBB2_14:
0x11: {  	s24 =	sadd.s32 $0x1, s24  }
0x12: {  	p1 =	sne.s32 s24, s13  }
.Ltmp1:
0x13: {  	_ = 	snop;
	(pc) =	sbr.rel @!p1 .LBB2_15-.Ltmp1, $1  }
0x14: {  	_ =	sdelay $0x3  }
.LBB2_1:
.Ltmp2:
0x15: {  	(pc) =	sbr.rel .LBB2_2-.Ltmp2, $4  }
0x16: {  	s0 =	rddreg [dreg:$0x3]  }
0x17: {  	[tilespmem:s3], [sflag:$0x1] =	stream.linear.gather [hbm4b:s0+s3], $0x1000, $0x38;
	[tilespmem:$0x4800] =	vst v63  }
0x18: {  	s31 =	simm.s32 $0x2000;
	s25 =	simm.s32 $0x0  }
0x19: {  	[tilespmem:s31], [sflag:$0x1] =	stream.linear.gather [hbm4b:s7+s3], $0x1000, $0x38;
	[tilespmem:$0x4800] =	vst v63  }
.LBB2_9:
0x1a: {  	s25 =	sadd.s32 $0x1, s25  }
0x1b: {  	p1 =	sne.s32 s25, $0x7A  }
.Ltmp3:
0x1c: {  	_ = 	snop;
	(pc) =	sbr.rel @!p1 .LBB2_10-.Ltmp3, $1  }
0x1d: {  	_ =	sdelay $0x3  }
.LBB2_2:
0x1e: {  	s26 =	sand.u32 $0x1, s25  }
0x1f: {  	p1 =	seq.s32 s26, $0x1  }
.Ltmp4:
0x20: {  	_ = 	snop;
	(pc) =	sbr.rel @p1 .LBB2_6-.Ltmp4, $1  }
0x21: {  	_ =	sdelay $0x3  }
0x22: {  	s0 =	sshll.u32 s25, $0xC  }
0x23: {  	s0 =	sadd.s32 s0, s8  }
0x24: {  	s0 =	sshrl.u32 s0, $0x3  }
0x25: {  	s1 =	sadd.s32 s4, s0  }
0x26: {  	[tilespmem:s22], [sflag:$0x2] =	stream.linear.gather [hbm4b:s1+s3], $0x1000, $0x38;
	[tilespmem:$0x4800] =	vst v63  }
0x27: {  	s0 =	sadd.s32 s5, s0  }
0x28: {  	[tilespmem:s23], [sflag:$0x2] =	stream.linear.gather [hbm4b:s0+s3], $0x1000, $0x38;
	[tilespmem:$0x4800] =	vst v63  }
0x29: {  	_ =	swait.ge [sflag:s16], $0x1000  }
0x2a: {  	[sflag:s16] =	ssyncset.done $0x0  }
0x2b: {  	[sflag:s16] =	ssyncadd.s32 $0xFFFFF000  }
0x2c: {  	_ =	swait.ge [sflag:s16], $0x1000  }
0x2d: {  	p2 =	slt.u32 s25, $0x2;
	s28 =	simm.s32 $0x0;
	[sflag:s16] =	ssyncset.done $0x0  }
0x2e: {  	p1 =	por $0x0, $0x0;
	s1 =	simm.s32 @!p2 $0x3;
	[sflag:s16] =	ssyncadd.s32 $0xFFFFF000  }
0x2f: {  	s10 =	simm.s32 $0x0;
	s11 =	simm.s32 $0x1;
	_ =	swait.ge @!p2 [sflag:s1], $0x400  }
0x30: {  	s10 =	sand.u32 $0x40, s10;
	s0 =	sand.u32 $0xE00, s28;
	[sflag:s1] =	ssyncset.done @!p2 $0x0  }
0x31: {  	s11 =	simm.s32 @!p1 $0x0;
	s12 =	sor.u32 s10, s0;
	[sflag:s1] =	ssyncadd.s32 @!p2 $0xFFFFFC00  }
0x32: {  	s14 =	sshll.u32 s11, $0x6;
	v0 =	vld [tilespmem:s12+$0x2080]  }
0x33: {  	s10 =	sadd.s32 $0x0, s14;
	v1 =	vld [tilespmem:s12+$0x2000]  }
0x34: {  	s6 =	sor.u32 $0x180, s10;
	v2 =	vld [tilespmem:s12+$0x0]  }
0x35: {  	s10 =	sor.u32 $0x100, s10;
	v3 =	vld [tilespmem:s6+$0x2000]  }
0x36: {  	v4 =	vld [tilespmem:s10+$0x0]  }
0x37: {  	v5 =	vld [tilespmem:s10+$0x2000]  }
0x38: {  	v6 =	vld [tilespmem:s6+$0x0]  }
0x39: {  	v7 =	vld [tilespmem:s12+$0x80];
	_ =	sdelay $0x3  }
0x3a: {  	v8 =	vadd.f32 v5, v4;
	v9 =	vadd.f32 v3, v6  }
0x3b: {  	v1 =	vsub.f32 v2, v1;
	v0 =	vsub.f32 v7, v0  }
0x3c: {  	v2 =	vmul.f32 $5.000000000e-01, v8;
	v7 =	vmul.f32 $5.000000000e-01, v9  }
0x3d: {  	v1 =	vand.u32 $0x7FFFFFFF, v1;
	v0 =	vand.u32 $0x7FFFFFFF, v0  }
0x3e: {  	v8 =	vmin.f32 v4, v5;
	v1 =	vsub.f32 v2, v1;
	v0 =	vsub.f32 v7, v0  }
0x3f: {  	v4 =	vmul.f32 v6, v4;
	v2 =	vmul.f32 v3, v5;
	v3 =	vmin.f32 v6, v3  }
0x40: {  	v1 =	vclamp.gez.f32 v1, v8;
	v0 =	vclamp.gez.f32 v0, v3  }
0x41: {  	v0 =	vmul.f32 v0, v1;
	v1 =	vadd.f32 v2, v4;
	_ =	sdelay $0x1  }
0x42: {  	v1 =	vsub.f32 v1, v0;
	_ =	sdelay $0x1  }
0x43: {  	(erf) = vrcp.f32 v1;
	_ =	sdelay $0x8  }
0x44: {  	v1 =	vpop (erf)  }
0x45: {  	v0 =	vmul.f32 v1, v0;
	_ =	sdelay $0x1  }
0x46: {  	v0 =	vmul.f32 v0, v0  }
0x47: {  	s10 =	sand.u32 $0x7, s28  }
0x48: {  	s11 =	simm.s32 $0x10;
	s1 =	sshll.u32 s10, $0x4;
	v0 =	vsub.f32 $1.000000000e+00, v0  }
0x49: {  	s29 =	simm.s32 $0x0;
	s10 =	sand.u32 $0x50, s11;
	s1 =	sadd.s32 $0x0, s1  }
0x4a: {  	s10 =	sor.u32 s0, s10;
	s12 =	sadd.s32 $0x10, s1;
	[tilespmem:s29+$0x4000] =	vst v0  }
0x4b: {  	s30 =	sor.u32 $0x100, s12;
	v0 =	vld [tilespmem:s10+$0x2080]  }
0x4c: {  	v1 =	vld [tilespmem:s30+$0x2000]  }
0x4d: {  	v2 =	vld [tilespmem:s10+$0x2000]  }
0x4e: {  	s11 =	sor.u32 $0x180, s12;
	v3 =	vld [tilespmem:s10+$0x0]  }
0x4f: {  	v4 =	vld [tilespmem:s11+$0x2000]  }
0x50: {  	v5 =	vld [tilespmem:s11+$0x0]  }
0x51: {  	v6 =	vld [tilespmem:s30+$0x0]  }
0x52: {  	v7 =	vld [tilespmem:s10+$0x80];
	_ =	sdelay $0x3  }
0x53: {  	v8 =	vadd.f32 v4, v5;
	v61 =	vadd.f32 v1, v6  }
0x54: {  	v2 =	vsub.f32 v3, v2;
	v0 =	vsub.f32 v7, v0  }
0x55: {  	v3 =	vmul.f32 $5.000000000e-01, v8;
	v7 =	vmul.f32 $5.000000000e-01, v61  }
0x56: {  	v2 =	vand.u32 $0x7FFFFFFF, v2;
	v0 =	vand.u32 $0x7FFFFFFF, v0  }
0x57: {  	v8 =	vmul.f32 v4, v1;
	v0 =	vsub.f32 v3, v0;
	v2 =	vsub.f32 v7, v2  }
0x58: {  	v1 =	vmin.f32 v6, v1;
	v3 =	vmin.f32 v5, v4;
	v4 =	vmul.f32 v5, v6  }
0x59: {  	v1 =	vclamp.gez.f32 v2, v1;
	v0 =	vclamp.gez.f32 v0, v3  }
0x5a: {  	v0 =	vmul.f32 v0, v1;
	v1 =	vadd.f32 v8, v4;
	_ =	sdelay $0x1  }
0x5b: {  	v1 =	vsub.f32 v1, v0;
	_ =	sdelay $0x1  }
0x5c: {  	(erf) = vrcp.f32 v1;
	_ =	sdelay $0x8  }
0x5d: {  	v1 =	vpop (erf)  }
0x5e: {  	v0 =	vmul.f32 v1, v0;
	_ =	sdelay $0x1  }
0x5f: {  	v0 =	vmul.f32 v0, v0;
	_ =	sdelay $0x1  }
0x60: {  	s14 =	simm.s32 $0x20;
	v0 =	vsub.f32 $1.000000000e+00, v0  }
0x61: {  	s6 =	sand.u32 $0x3, s28;
	s10 =	sand.u32 $0x60, s14  }
0x62: {  	s11 =	sshll.u32 s6, $0x5;
	s10 =	sor.u32 s0, s10;
	[tilespmem:s29+$0x4010] =	vst v0  }
0x63: {  	s11 =	sadd.s32 $0x0, s11;
	v0 =	vld [tilespmem:s10+$0x2000]  }
0x64: {  	s11 =	sadd.s32 $0x20, s11;
	v1 =	vld [tilespmem:s10+$0x80]  }
0x65: {  	s30 =	sor.u32 $0x180, s11;
	v2 =	vld [tilespmem:s10+$0x0]  }
0x66: {  	s11 =	sor.u32 $0x100, s11;
	v3 =	vld [tilespmem:s30+$0x2000]  }
0x67: {  	v4 =	vld [tilespmem:s11+$0x0]  }
0x68: {  	v5 =	vld [tilespmem:s11+$0x2000]  }
0x69: {  	v6 =	vld [tilespmem:s30+$0x0]  }
0x6a: {  	v7 =	vld [tilespmem:s10+$0x2080];
	_ =	sdelay $0x3  }
0x6b: {  	v8 =	vadd.f32 v5, v4;
	v62 =	vadd.f32 v3, v6  }
0x6c: {  	v0 =	vsub.f32 v2, v0;
	v1 =	vsub.f32 v1, v7  }
0x6d: {  	v2 =	vmul.f32 $5.000000000e-01, v8;
	v7 =	vmul.f32 $5.000000000e-01, v62  }
0x6e: {  	v0 =	vand.u32 $0x7FFFFFFF, v0;
	v1 =	vand.u32 $0x7FFFFFFF, v1  }
0x6f: {  	v8 =	vmin.f32 v4, v5;
	v0 =	vsub.f32 v2, v0;
	v1 =	vsub.f32 v7, v1  }
0x70: {  	v4 =	vmul.f32 v6, v4;
	v2 =	vmul.f32 v3, v5;
	v3 =	vmin.f32 v6, v3  }
0x71: {  	v0 =	vclamp.gez.f32 v0, v8;
	v1 =	vclamp.gez.f32 v1, v3  }
0x72: {  	v0 =	vmul.f32 v1, v0;
	v1 =	vadd.f32 v2, v4;
	_ =	sdelay $0x1  }
0x73: {  	v1 =	vsub.f32 v1, v0;
	_ =	sdelay $0x1  }
0x74: {  	(erf) = vrcp.f32 v1;
	_ =	sdelay $0x8  }
0x75: {  	v1 =	vpop (erf)  }
0x76: {  	v0 =	vmul.f32 v1, v0;
	_ =	sdelay $0x1  }
0x77: {  	v0 =	vmul.f32 v0, v0;
	_ =	sdelay $0x1  }
0x78: {  	s30 =	simm.s32 $0x30;
	v0 =	vsub.f32 $1.000000000e+00, v0  }
0x79: {  	s12 =	sand.u32 $0x70, s30  }
0x7a: {  	s1 =	sadd.s32 $0x30, s1;
	s0 =	sor.u32 s0, s12;
	[tilespmem:s29+$0x4020] =	vst v0  }
0x7b: {  	s14 =	sor.u32 $0x100, s1;
	v1 =	vld [tilespmem:s0+$0x2000]  }
0x7c: {  	v2 =	vld [tilespmem:s14+$0x0]  }
0x7d: {  	v0 =	vld [tilespmem:s0+$0x80]  }
0x7e: {  	s1 =	sor.u32 $0x180, s1;
	v3 =	vld [tilespmem:s0+$0x2080]  }
0x7f: {  	v4 =	vld [tilespmem:s1+$0x0]  }
0x80: {  	v5 =	vld [tilespmem:s0+$0x0]  }
0x81: {  	v7 =	vld [tilespmem:s1+$0x2000]  }
0x82: {  	v8 =	vld [tilespmem:s14+$0x2000];
	_ =	sdelay $0x3  }
0x83: {  	v3 =	vsub.f32 v0, v3;
	v0 =	vmul.f32 v4, v2;
	v6 =	vadd.f32 v7, v4  }
0x84: {  	v63 =	vsub.f32 v5, v1;
	v5 =	vadd.f32 v8, v2;
	v1 =	vmin.f32 v2, v8  }
0x85: {  	s31 =	simm.s32 $0x0;
	v2 =	vmin.f32 v4, v7;
	v4 =	vmul.f32 $5.000000000e-01, v6;
	v6 =	vand.u32 $0x7FFFFFFF, v3  }
0x86: {  	p1 =	por !p1, !p1;
	s0 =	simm.s32 $0x4;
	s1 =	simm.s32 $0x2;
	v3 =	vmul.f32 v7, v8;
	v5 =	vmul.f32 $5.000000000e-01, v5;
	v7 =	vand.u32 $0x7FFFFFFF, v63  }
.LBB2_4:
0x87: {  	s31 =	sadd.s32 $0x4, s31;
	v4 =	vsub.f32 v4, v6;
	s28 =	sadd.s32 $0x100, s28;
	s30 =	sadd.s32 $0x40, s30  }
0x88: {  	p2 =	slt.u32 s31, $0x3C;
	v5 =	vsub.f32 v5, v7  }
0x89: {  	v2 =	vclamp.gez.f32 v4, v2  }
0x8a: {  	v0 =	vadd.f32 v3, v0;
	v1 =	vclamp.gez.f32 v5, v1  }
0x8b: {  	v1 =	vmul.f32 v2, v1;
	_ =	sdelay $0x1  }
0x8c: {  	v0 =	vsub.f32 v0, v1;
	_ =	sdelay $0x1  }
0x8d: {  	(erf) = vrcp.f32 v0;
	_ =	sdelay $0x8  }
0x8e: {  	v0 =	vpop (erf)  }
0x8f: {  	v0 =	vmul.f32 v0, v1;
	_ =	sdelay $0x1  }
0x90: {  	v0 =	vmul.f32 v0, v0;
	_ =	sdelay $0x1  }
0x91: {  	s11 =	sadd.s32 $0xFFFFFFD0, s30;
	v0 =	vsub.f32 $1.000000000e+00, v0  }
0x92: {  	s12 =	simm.s32 $0x1;
	s10 =	sand.u32 $0xE00, s28;
	s11 =	sand.u32 $0x40, s11  }
0x93: {  	s12 =	simm.s32 @!p1 $0x0;
	s11 =	sor.u32 s11, s10;
	[tilespmem:s29+$0x4030] =	vst v0  }
0x94: {  	s12 =	sshll.u32 s12, $0x6;
	v0 =	vld [tilespmem:s11+$0x2080]  }
0x95: {  	s12 =	sadd.s32 s12, s28;
	v1 =	vld [tilespmem:s11+$0x2000]  }
0x96: {  	s29 =	sor.u32 $0x100, s12;
	s12 =	sor.u32 $0x180, s12;
	v2 =	vld [tilespmem:s11+$0x0]  }
0x97: {  	v3 =	vld [tilespmem:s12+$0x2000]  }
0x98: {  	v4 =	vld [tilespmem:s29+$0x0]  }
0x99: {  	v5 =	vld [tilespmem:s29+$0x2000]  }
0x9a: {  	v6 =	vld [tilespmem:s12+$0x0]  }
0x9b: {  	v7 =	vld [tilespmem:s11+$0x80];
	v1 =	vsub.f32 v2, v1;
	_ =	sdelay $0x2  }
0x9c: {  	v2 =	vadd.f32 v5, v4;
	v8 =	vmin.f32 v4, v5;
	v5 =	vmul.f32 v3, v5  }
0x9d: {  	v9 =	vadd.f32 v3, v6;
	v3 =	vmin.f32 v6, v3;
	v4 =	vmul.f32 v6, v4  }
0x9e: {  	v2 =	vmul.f32 $5.000000000e-01, v2;
	v0 =	vsub.f32 v7, v0  }
0x9f: {  	v1 =	vand.u32 $0x7FFFFFFF, v1;
	v6 =	vmul.f32 $5.000000000e-01, v9  }
0xa0: {  	v1 =	vsub.f32 v2, v1;
	v0 =	vand.u32 $0x7FFFFFFF, v0  }
0xa1: {  	v0 =	vsub.f32 v6, v0  }
0xa2: {  	v1 =	vclamp.gez.f32 v1, v8  }
0xa3: {  	v0 =	vclamp.gez.f32 v0, v3  }
0xa4: {  	v0 =	vmul.f32 v0, v1;
	v1 =	vadd.f32 v5, v4;
	_ =	sdelay $0x1  }
0xa5: {  	v1 =	vsub.f32 v1, v0;
	_ =	sdelay $0x1  }
0xa6: {  	(erf) = vrcp.f32 v1;
	_ =	sdelay $0x8  }
0xa7: {  	v1 =	vpop (erf)  }
0xa8: {  	v0 =	vmul.f32 v1, v0;
	_ =	sdelay $0x1  }
0xa9: {  	v0 =	vmul.f32 v0, v0  }
0xaa: {  	s11 =	sand.u32 $0x7, s0  }
0xab: {  	s12 =	sadd.s32 $0xFFFFFFE0, s30;
	s11 =	sshll.u32 s11, $0x4;
	v0 =	vsub.f32 $1.000000000e+00, v0  }
0xac: {  	s29 =	sshra.s32 s28, $0x2;
	s14 =	sadd.s32 s28, s11;
	s11 =	sand.u32 $0x50, s12  }
0xad: {  	s12 =	sor.u32 s10, s11;
	s11 =	sadd.s32 $0x30, s14;
	s14 =	sadd.s32 $0x10, s14;
	[tilespmem:s29+$0x4000] =	vst v0  }
0xae: {  	s6 =	sor.u32 $0x100, s14;
	v0 =	vld [tilespmem:s12+$0x2080]  }
0xaf: {  	v1 =	vld [tilespmem:s6+$0x2000]  }
0xb0: {  	v2 =	vld [tilespmem:s12+$0x2000]  }
0xb1: {  	v3 =	vld [tilespmem:s12+$0x0]  }
0xb2: {  	v4 =	vld [tilespmem:s12+$0x80];
	s12 =	sor.u32 $0x180, s14  }
0xb3: {  	v5 =	vld [tilespmem:s12+$0x2000]  }
0xb4: {  	v6 =	vld [tilespmem:s12+$0x0]  }
0xb5: {  	v7 =	vld [tilespmem:s6+$0x0]  }
0xb6: {  	v2 =	vsub.f32 v3, v2  }
0xb7: {  	v0 =	vsub.f32 v4, v0  }
0xb8: {  	v2 =	vand.u32 $0x7FFFFFFF, v2;
	v3 =	vmul.f32 v5, v1  }
0xb9: {  	v4 =	vadd.f32 v5, v6;
	v5 =	vmin.f32 v6, v5  }
0xba: {  	v8 =	vadd.f32 v1, v7;
	v1 =	vmin.f32 v7, v1;
	v6 =	vmul.f32 v6, v7  }
0xbb: {  	v4 =	vmul.f32 $5.000000000e-01, v4  }
0xbc: {  	v0 =	vand.u32 $0x7FFFFFFF, v0;
	v7 =	vmul.f32 $5.000000000e-01, v8  }
0xbd: {  	v0 =	vsub.f32 v4, v0  }
0xbe: {  	v2 =	vsub.f32 v7, v2;
	_ =	sdelay $0x1  }
0xbf: {  	v0 =	vclamp.gez.f32 v0, v5;
	v1 =	vclamp.gez.f32 v2, v1  }
0xc0: {  	v0 =	vmul.f32 v0, v1;
	v1 =	vadd.f32 v3, v6;
	_ =	sdelay $0x1  }
0xc1: {  	v1 =	vsub.f32 v1, v0;
	_ =	sdelay $0x1  }
0xc2: {  	(erf) = vrcp.f32 v1;
	_ =	sdelay $0x8  }
0xc3: {  	v1 =	vpop (erf)  }
0xc4: {  	v0 =	vmul.f32 v1, v0;
	_ =	sdelay $0x1  }
0xc5: {  	v0 =	vmul.f32 v0, v0;
	_ =	sdelay $0x1  }
0xc6: {  	s6 =	sadd.s32 $0xFFFFFFF0, s30;
	v0 =	vsub.f32 $1.000000000e+00, v0  }
0xc7: {  	s12 =	sand.u32 $0x3, s1;
	s6 =	sand.u32 $0x60, s6  }
0xc8: {  	s12 =	sshll.u32 s12, $0x5;
	s6 =	sor.u32 s10, s6;
	[tilespmem:s29+$0x4010] =	vst v0  }
0xc9: {  	s12 =	sadd.s32 s28, s12;
	v0 =	vld [tilespmem:s6+$0x2000]  }
0xca: {  	s12 =	sadd.s32 $0x20, s12;
	v1 =	vld [tilespmem:s6+$0x80]  }
0xcb: {  	s14 =	sor.u32 $0x180, s12;
	v2 =	vld [tilespmem:s6+$0x0]  }
0xcc: {  	v3 =	vld [tilespmem:s14+$0x2000]  }
0xcd: {  	s12 =	sor.u32 $0x100, s12;
	v4 =	vld [tilespmem:s6+$0x2080]  }
0xce: {  	v5 =	vld [tilespmem:s12+$0x0]  }
0xcf: {  	v6 =	vld [tilespmem:s12+$0x2000]  }
0xd0: {  	v7 =	vld [tilespmem:s14+$0x0];
	_ =	sdelay $0x1  }
0xd1: {  	v0 =	vsub.f32 v2, v0;
	v1 =	vsub.f32 v1, v4;
	_ =	sdelay $0x1  }
0xd2: {  	v2 =	vadd.f32 v6, v5;
	v4 =	vmin.f32 v5, v6;
	v6 =	vmul.f32 v3, v6  }
0xd3: {  	v8 =	vadd.f32 v3, v7;
	v3 =	vmin.f32 v7, v3;
	v5 =	vmul.f32 v7, v5  }
0xd4: {  	v0 =	vand.u32 $0x7FFFFFFF, v0;
	v2 =	vmul.f32 $5.000000000e-01, v2  }
0xd5: {  	v7 =	vmul.f32 $5.000000000e-01, v8  }
0xd6: {  	v1 =	vand.u32 $0x7FFFFFFF, v1;
	v0 =	vsub.f32 v2, v0  }
0xd7: {  	v1 =	vsub.f32 v7, v1;
	_ =	sdelay $0x1  }
0xd8: {  	v0 =	vclamp.gez.f32 v0, v4;
	v1 =	vclamp.gez.f32 v1, v3  }
0xd9: {  	v0 =	vmul.f32 v1, v0;
	v1 =	vadd.f32 v6, v5;
	_ =	sdelay $0x1  }
0xda: {  	v1 =	vsub.f32 v1, v0;
	_ =	sdelay $0x1  }
0xdb: {  	(erf) = vrcp.f32 v1;
	_ =	sdelay $0x8  }
0xdc: {  	v1 =	vpop (erf)  }
0xdd: {  	v0 =	vmul.f32 v1, v0;
	_ =	sdelay $0x1  }
0xde: {  	v0 =	vmul.f32 v0, v0;
	_ =	sdelay $0x1  }
0xdf: {  	v0 =	vsub.f32 $1.000000000e+00, v0  }
0xe0: {  	s6 =	sand.u32 $0x70, s30  }
0xe1: {  	s6 =	sor.u32 s10, s6;
	[tilespmem:s29+$0x4020] =	vst v0  }
0xe2: {  	s10 =	sor.u32 $0x100, s11;
	v1 =	vld [tilespmem:s6+$0x2000]  }
0xe3: {  	v2 =	vld [tilespmem:s10+$0x0]  }
0xe4: {  	v0 =	vld [tilespmem:s6+$0x80]  }
0xe5: {  	s11 =	sor.u32 $0x180, s11;
	v3 =	vld [tilespmem:s6+$0x2080]  }
0xe6: {  	v4 =	vld [tilespmem:s11+$0x0]  }
0xe7: {  	v5 =	vld [tilespmem:s6+$0x0]  }
0xe8: {  	v7 =	vld [tilespmem:s11+$0x2000]  }
0xe9: {  	v8 =	vld [tilespmem:s10+$0x2000];
	_ =	sdelay $0x1  }
0xea: {  	v3 =	vsub.f32 v0, v3;
	v0 =	vmul.f32 v4, v2  }
.Ltmp5:
0xeb: {  	v9 =	vsub.f32 v5, v1;
	(pc) =	sbr.rel @p2 .LBB2_4-.Ltmp5, $4  }
0xec: {  	v5 =	vadd.f32 v7, v4  }
0xed: {  	v10 =	vadd.f32 v8, v2;
	v1 =	vmin.f32 v2, v8;
	v2 =	vmin.f32 v4, v7  }
0xee: {  	v6 =	vand.u32 $0x7FFFFFFF, v3;
	v3 =	vmul.f32 v7, v8;
	v4 =	vmul.f32 $5.000000000e-01, v5  }
0xef: {  	p1 =	por !p1, !p1;
	s0 =	sadd.s32 $0x4, s0;
	s1 =	sadd.s32 $0x2, s1;
	v7 =	vand.u32 $0x7FFFFFFF, v9;
	v5 =	vmul.f32 $5.000000000e-01, v10  }
0xf0: {  	_ = 	snop  }
0xf1: {  	v4 =	vsub.f32 v4, v6;
	v5 =	vsub.f32 v5, v7;
	_ =	sdelay $0x1  }
0xf2: {  	v2 =	vclamp.gez.f32 v4, v2;
	v1 =	vclamp.gez.f32 v5, v1  }
0xf3: {  	v0 =	vadd.f32 v3, v0;
	v1 =	vmul.f32 v2, v1;
	_ =	sdelay $0x1  }
0xf4: {  	v0 =	vsub.f32 v0, v1;
	_ =	sdelay $0x1  }
0xf5: {  	(erf) = vrcp.f32 v0;
	_ =	sdelay $0x8  }
0xf6: {  	v0 =	vpop (erf)  }
0xf7: {  	v0 =	vmul.f32 v0, v1;
	_ =	sdelay $0x1  }
0xf8: {  	p1 =	seq.s32 s26, $0x0;
	v0 =	vmul.f32 v0, v0  }
.Ltmp6:
0xf9: {  	s0 =	sshll.u32 s25, $0xA;
	(pc) =	sbr.rel @p1 .LBB2_9-.Ltmp6, $4  }
0xfa: {  	s0 =	sadd.s32 s9, s0;
	v0 =	vsub.f32 $1.000000000e+00, v0  }
0xfb: {  	s0 =	sshrl.u32 s0, $0x3  }
0xfc: {  	s0 =	sadd.s32 s2, s0;
	[tilespmem:s29+$0x4030] =	vst v0  }
0xfd: {  	[hbm4b:s0+s3] =	stream.linear.scatter [tilespmem:s21], [sflag:$0x3], $0x400, $0x38;
	[tilespmem:$0x4800] =	vst v63  }
.LBB2_6:
0xfe: {  	p1 =	seq.s32 s25, $0x79  }
0xff: {  	s0 =	sshll.u32 @!p1 s25, $0xC  }
0x100: {  	s0 =	sadd.s32 @!p1 s0, s8  }
0x101: {  	s0 =	sshrl.u32 @!p1 s0, $0x3  }
0x102: {  	s6 =	simm.s32 @!p1 $0x0;
	s1 =	sadd.s32 @!p1 s4, s0  }
0x103: {  	[tilespmem:s6], [sflag:$0x1] =	stream.linear.gather @!p1 [hbm4b:s1+s6], $0x1000, $0x38;
	[tilespmem:$0x4800] =	vst v63  }
0x104: {  	s0 =	sadd.s32 @!p1 s5, s0;
	s1 =	simm.s32 @!p1 $0x2000  }
0x105: {  	[tilespmem:s1], [sflag:$0x1] =	stream.linear.gather @!p1 [hbm4b:s0+s6], $0x1000, $0x38;
	[tilespmem:$0x4800] =	vst v63  }
0x106: {  	_ =	swait.ge [sflag:s15], $0x1000  }
0x107: {  	[sflag:s15] =	ssyncset.done $0x0  }
0x108: {  	[sflag:s15] =	ssyncadd.s32 $0xFFFFF000  }
0x109: {  	_ =	swait.ge [sflag:s15], $0x1000  }
0x10a: {  	p2 =	slt.u32 s25, $0x2;
	s26 =	simm.s32 $0x0;
	[sflag:s15] =	ssyncset.done $0x0  }
0x10b: {  	s14 =	simm.s32 $0x0;
	s1 =	simm.s32 @!p2 $0x4;
	[sflag:s15] =	ssyncadd.s32 $0xFFFFF000  }
0x10c: {  	s10 =	simm.s32 $0x1;
	p1 =	por $0x0, $0x0;
	_ =	swait.ge @!p2 [sflag:s1], $0x400  }
0x10d: {  	s0 =	sand.u32 $0xE00, s26;
	s6 =	sand.u32 $0x40, s14;
	[sflag:s1] =	ssyncset.done @!p2 $0x0  }
0x10e: {  	s10 =	simm.s32 @!p1 $0x0;
	s31 =	sor.u32 s6, s0;
	[sflag:s1] =	ssyncadd.s32 @!p2 $0xFFFFFC00  }
0x10f: {  	s10 =	sshll.u32 s10, $0x6;
	v0 =	vld [tilespmem:s31+$0x3080]  }
0x110: {  	s6 =	sadd.s32 $0x0, s10;
	v1 =	vld [tilespmem:s31+$0x3000]  }
0x111: {  	s11 =	sor.u32 $0x180, s6;
	v2 =	vld [tilespmem:s31+$0x1000]  }
0x112: {  	s6 =	sor.u32 $0x100, s6;
	v3 =	vld [tilespmem:s11+$0x3000]  }
0x113: {  	v4 =	vld [tilespmem:s6+$0x1000]  }
0x114: {  	v5 =	vld [tilespmem:s6+$0x3000]  }
0x115: {  	v6 =	vld [tilespmem:s11+$0x1000]  }
0x116: {  	v7 =	vld [tilespmem:s31+$0x1080];
	_ =	sdelay $0x3  }
0x117: {  	v8 =	vadd.f32 v5, v4;
	v9 =	vadd.f32 v3, v6  }
0x118: {  	v1 =	vsub.f32 v2, v1;
	v0 =	vsub.f32 v7, v0  }
0x119: {  	v2 =	vmul.f32 $5.000000000e-01, v8;
	v7 =	vmul.f32 $5.000000000e-01, v9  }
0x11a: {  	v1 =	vand.u32 $0x7FFFFFFF, v1;
	v0 =	vand.u32 $0x7FFFFFFF, v0  }
0x11b: {  	v8 =	vmin.f32 v4, v5;
	v1 =	vsub.f32 v2, v1;
	v0 =	vsub.f32 v7, v0  }
0x11c: {  	v4 =	vmul.f32 v6, v4;
	v2 =	vmul.f32 v3, v5;
	v3 =	vmin.f32 v6, v3  }
0x11d: {  	v1 =	vclamp.gez.f32 v1, v8;
	v0 =	vclamp.gez.f32 v0, v3  }
0x11e: {  	v0 =	vmul.f32 v0, v1;
	v1 =	vadd.f32 v2, v4;
	_ =	sdelay $0x1  }
0x11f: {  	v1 =	vsub.f32 v1, v0;
	_ =	sdelay $0x1  }
0x120: {  	(erf) = vrcp.f32 v1;
	_ =	sdelay $0x8  }
0x121: {  	v1 =	vpop (erf)  }
0x122: {  	v0 =	vmul.f32 v1, v0;
	_ =	sdelay $0x1  }
0x123: {  	v0 =	vmul.f32 v0, v0  }
0x124: {  	s12 =	sand.u32 $0x7, s26  }
0x125: {  	s14 =	simm.s32 $0x10;
	s1 =	sshll.u32 s12, $0x4;
	v0 =	vsub.f32 $1.000000000e+00, v0  }
0x126: {  	s28 =	simm.s32 $0x0;
	s1 =	sadd.s32 $0x0, s1;
	s6 =	sand.u32 $0x50, s14  }
0x127: {  	s6 =	sor.u32 s0, s6;
	s31 =	sadd.s32 $0x10, s1;
	[tilespmem:s28+$0x4400] =	vst v0  }
0x128: {  	s11 =	sor.u32 $0x100, s31;
	v0 =	vld [tilespmem:s6+$0x3080]  }
0x129: {  	v1 =	vld [tilespmem:s11+$0x3000]  }
0x12a: {  	v2 =	vld [tilespmem:s6+$0x3000]  }
0x12b: {  	s10 =	sor.u32 $0x180, s31;
	v3 =	vld [tilespmem:s6+$0x1000]  }
0x12c: {  	v4 =	vld [tilespmem:s10+$0x3000]  }
0x12d: {  	v5 =	vld [tilespmem:s10+$0x1000]  }
0x12e: {  	v6 =	vld [tilespmem:s11+$0x1000]  }
0x12f: {  	v7 =	vld [tilespmem:s6+$0x1080];
	_ =	sdelay $0x3  }
0x130: {  	v8 =	vadd.f32 v4, v5;
	v61 =	vadd.f32 v1, v6  }
0x131: {  	v2 =	vsub.f32 v3, v2;
	v0 =	vsub.f32 v7, v0  }
0x132: {  	v3 =	vmul.f32 $5.000000000e-01, v8;
	v7 =	vmul.f32 $5.000000000e-01, v61  }
0x133: {  	v2 =	vand.u32 $0x7FFFFFFF, v2;
	v0 =	vand.u32 $0x7FFFFFFF, v0  }
0x134: {  	v8 =	vmul.f32 v4, v1;
	v0 =	vsub.f32 v3, v0;
	v2 =	vsub.f32 v7, v2  }
0x135: {  	v1 =	vmin.f32 v6, v1;
	v3 =	vmin.f32 v5, v4;
	v4 =	vmul.f32 v5, v6  }
0x136: {  	v1 =	vclamp.gez.f32 v2, v1;
	v0 =	vclamp.gez.f32 v0, v3  }
0x137: {  	v0 =	vmul.f32 v0, v1;
	v1 =	vadd.f32 v8, v4;
	_ =	sdelay $0x1  }
0x138: {  	v1 =	vsub.f32 v1, v0;
	_ =	sdelay $0x1  }
0x139: {  	(erf) = vrcp.f32 v1;
	_ =	sdelay $0x8  }
0x13a: {  	v1 =	vpop (erf)  }
0x13b: {  	v0 =	vmul.f32 v1, v0;
	_ =	sdelay $0x1  }
0x13c: {  	v0 =	vmul.f32 v0, v0;
	_ =	sdelay $0x1  }
0x13d: {  	s10 =	simm.s32 $0x20;
	v0 =	vsub.f32 $1.000000000e+00, v0  }
0x13e: {  	s11 =	sand.u32 $0x3, s26;
	s6 =	sand.u32 $0x60, s10  }
0x13f: {  	s10 =	sshll.u32 s11, $0x5;
	s6 =	sor.u32 s0, s6;
	[tilespmem:s28+$0x4410] =	vst v0  }
0x140: {  	s10 =	sadd.s32 $0x0, s10;
	v0 =	vld [tilespmem:s6+$0x3000]  }
0x141: {  	s10 =	sadd.s32 $0x20, s10;
	v1 =	vld [tilespmem:s6+$0x1080]  }
0x142: {  	s12 =	sor.u32 $0x180, s10;
	v2 =	vld [tilespmem:s6+$0x1000]  }
0x143: {  	s10 =	sor.u32 $0x100, s10;
	v3 =	vld [tilespmem:s12+$0x3000]  }
0x144: {  	v4 =	vld [tilespmem:s10+$0x1000]  }
0x145: {  	v5 =	vld [tilespmem:s10+$0x3000]  }
0x146: {  	v6 =	vld [tilespmem:s12+$0x1000]  }
0x147: {  	v7 =	vld [tilespmem:s6+$0x3080];
	_ =	sdelay $0x3  }
0x148: {  	v8 =	vadd.f32 v5, v4;
	v62 =	vadd.f32 v3, v6  }
0x149: {  	v0 =	vsub.f32 v2, v0;
	v1 =	vsub.f32 v1, v7  }
0x14a: {  	v2 =	vmul.f32 $5.000000000e-01, v8;
	v7 =	vmul.f32 $5.000000000e-01, v62  }
0x14b: {  	v0 =	vand.u32 $0x7FFFFFFF, v0;
	v1 =	vand.u32 $0x7FFFFFFF, v1  }
0x14c: {  	v8 =	vmin.f32 v4, v5;
	v0 =	vsub.f32 v2, v0;
	v1 =	vsub.f32 v7, v1  }
0x14d: {  	v4 =	vmul.f32 v6, v4;
	v2 =	vmul.f32 v3, v5;
	v3 =	vmin.f32 v6, v3  }
0x14e: {  	v0 =	vclamp.gez.f32 v0, v8;
	v1 =	vclamp.gez.f32 v1, v3  }
0x14f: {  	v0 =	vmul.f32 v1, v0;
	v1 =	vadd.f32 v2, v4;
	_ =	sdelay $0x1  }
0x150: {  	v1 =	vsub.f32 v1, v0;
	_ =	sdelay $0x1  }
0x151: {  	(erf) = vrcp.f32 v1;
	_ =	sdelay $0x8  }
0x152: {  	v1 =	vpop (erf)  }
0x153: {  	v0 =	vmul.f32 v1, v0;
	_ =	sdelay $0x1  }
0x154: {  	v0 =	vmul.f32 v0, v0;
	_ =	sdelay $0x1  }
0x155: {  	s29 =	simm.s32 $0x30;
	v0 =	vsub.f32 $1.000000000e+00, v0  }
0x156: {  	s14 =	sand.u32 $0x70, s29  }
0x157: {  	s1 =	sadd.s32 $0x30, s1;
	s0 =	sor.u32 s0, s14;
	[tilespmem:s28+$0x4420] =	vst v0  }
0x158: {  	s31 =	sor.u32 $0x100, s1;
	v1 =	vld [tilespmem:s0+$0x3000]  }
0x159: {  	v2 =	vld [tilespmem:s31+$0x1000]  }
0x15a: {  	v0 =	vld [tilespmem:s0+$0x1080]  }
0x15b: {  	s1 =	sor.u32 $0x180, s1;
	v3 =	vld [tilespmem:s0+$0x3080]  }
0x15c: {  	v4 =	vld [tilespmem:s1+$0x1000]  }
0x15d: {  	v5 =	vld [tilespmem:s0+$0x1000]  }
0x15e: {  	v7 =	vld [tilespmem:s1+$0x3000]  }
0x15f: {  	v8 =	vld [tilespmem:s31+$0x3000];
	_ =	sdelay $0x3  }
0x160: {  	v3 =	vsub.f32 v0, v3;
	v0 =	vmul.f32 v4, v2;
	v6 =	vadd.f32 v7, v4  }
0x161: {  	v63 =	vsub.f32 v5, v1;
	v5 =	vadd.f32 v8, v2;
	v1 =	vmin.f32 v2, v8  }
0x162: {  	s30 =	simm.s32 $0x0;
	v2 =	vmin.f32 v4, v7;
	v4 =	vmul.f32 $5.000000000e-01, v6;
	v6 =	vand.u32 $0x7FFFFFFF, v3  }
0x163: {  	p1 =	por !p1, !p1;
	s0 =	simm.s32 $0x4;
	s1 =	simm.s32 $0x2;
	v3 =	vmul.f32 v7, v8;
	v5 =	vmul.f32 $5.000000000e-01, v5;
	v7 =	vand.u32 $0x7FFFFFFF, v63  }
.LBB2_7:
0x164: {  	s30 =	sadd.s32 $0x4, s30;
	v4 =	vsub.f32 v4, v6;
	s26 =	sadd.s32 $0x100, s26;
	s29 =	sadd.s32 $0x40, s29  }
0x165: {  	p2 =	slt.u32 s30, $0x3C;
	v5 =	vsub.f32 v5, v7  }
0x166: {  	v2 =	vclamp.gez.f32 v4, v2  }
0x167: {  	v0 =	vadd.f32 v3, v0;
	v1 =	vclamp.gez.f32 v5, v1  }
0x168: {  	v1 =	vmul.f32 v2, v1;
	_ =	sdelay $0x1  }
0x169: {  	v0 =	vsub.f32 v0, v1;
	_ =	sdelay $0x1  }
0x16a: {  	(erf) = vrcp.f32 v0;
	_ =	sdelay $0x8  }
0x16b: {  	v0 =	vpop (erf)  }
0x16c: {  	v0 =	vmul.f32 v0, v1;
	_ =	sdelay $0x1  }
0x16d: {  	v0 =	vmul.f32 v0, v0;
	_ =	sdelay $0x1  }
0x16e: {  	s6 =	sadd.s32 $0xFFFFFFD0, s29;
	v0 =	vsub.f32 $1.000000000e+00, v0  }
0x16f: {  	s11 =	simm.s32 $0x1;
	s10 =	sand.u32 $0xE00, s26;
	s6 =	sand.u32 $0x40, s6  }
0x170: {  	s11 =	simm.s32 @!p1 $0x0;
	s6 =	sor.u32 s6, s10;
	[tilespmem:s28+$0x4430] =	vst v0  }
0x171: {  	s11 =	sshll.u32 s11, $0x6;
	v0 =	vld [tilespmem:s6+$0x3080]  }
0x172: {  	s11 =	sadd.s32 s11, s26;
	v1 =	vld [tilespmem:s6+$0x3000]  }
0x173: {  	s12 =	sor.u32 $0x100, s11;
	s11 =	sor.u32 $0x180, s11;
	v2 =	vld [tilespmem:s6+$0x1000]  }
0x174: {  	v3 =	vld [tilespmem:s11+$0x3000]  }
0x175: {  	v4 =	vld [tilespmem:s12+$0x1000]  }
0x176: {  	v5 =	vld [tilespmem:s12+$0x3000]  }
0x177: {  	v6 =	vld [tilespmem:s11+$0x1000]  }
0x178: {  	v7 =	vld [tilespmem:s6+$0x1080];
	v1 =	vsub.f32 v2, v1;
	_ =	sdelay $0x2  }
0x179: {  	v2 =	vadd.f32 v5, v4;
	v8 =	vmin.f32 v4, v5;
	v5 =	vmul.f32 v3, v5  }
0x17a: {  	v9 =	vadd.f32 v3, v6;
	v3 =	vmin.f32 v6, v3;
	v4 =	vmul.f32 v6, v4  }
0x17b: {  	v2 =	vmul.f32 $5.000000000e-01, v2;
	v0 =	vsub.f32 v7, v0  }
0x17c: {  	v1 =	vand.u32 $0x7FFFFFFF, v1;
	v6 =	vmul.f32 $5.000000000e-01, v9  }
0x17d: {  	v1 =	vsub.f32 v2, v1;
	v0 =	vand.u32 $0x7FFFFFFF, v0  }
0x17e: {  	v0 =	vsub.f32 v6, v0  }
0x17f: {  	v1 =	vclamp.gez.f32 v1, v8  }
0x180: {  	v0 =	vclamp.gez.f32 v0, v3  }
0x181: {  	v0 =	vmul.f32 v0, v1;
	v1 =	vadd.f32 v5, v4;
	_ =	sdelay $0x1  }
0x182: {  	v1 =	vsub.f32 v1, v0;
	_ =	sdelay $0x1  }
0x183: {  	(erf) = vrcp.f32 v1;
	_ =	sdelay $0x8  }
0x184: {  	v1 =	vpop (erf)  }
0x185: {  	v0 =	vmul.f32 v1, v0;
	_ =	sdelay $0x1  }
0x186: {  	v0 =	vmul.f32 v0, v0  }
0x187: {  	s6 =	sand.u32 $0x7, s0  }
0x188: {  	s11 =	sadd.s32 $0xFFFFFFE0, s29;
	s6 =	sshll.u32 s6, $0x4;
	v0 =	vsub.f32 $1.000000000e+00, v0  }
0x189: {  	s28 =	sshra.s32 s26, $0x2;
	s11 =	sand.u32 $0x50, s11;
	s6 =	sadd.s32 s26, s6  }
0x18a: {  	s12 =	sor.u32 s10, s11;
	s11 =	sadd.s32 $0x30, s6;
	s6 =	sadd.s32 $0x10, s6;
	[tilespmem:s28+$0x4400] =	vst v0  }
0x18b: {  	s14 =	sor.u32 $0x100, s6;
	v0 =	vld [tilespmem:s12+$0x3080]  }
0x18c: {  	v1 =	vld [tilespmem:s14+$0x3000]  }
0x18d: {  	v2 =	vld [tilespmem:s12+$0x3000]  }
0x18e: {  	v3 =	vld [tilespmem:s12+$0x1000]  }
0x18f: {  	s6 =	sor.u32 $0x180, s6;
	v4 =	vld [tilespmem:s12+$0x1080]  }
0x190: {  	v5 =	vld [tilespmem:s6+$0x3000]  }
0x191: {  	v6 =	vld [tilespmem:s6+$0x1000]  }
0x192: {  	v7 =	vld [tilespmem:s14+$0x1000]  }
0x193: {  	v2 =	vsub.f32 v3, v2  }
0x194: {  	v0 =	vsub.f32 v4, v0  }
0x195: {  	v2 =	vand.u32 $0x7FFFFFFF, v2;
	v3 =	vmul.f32 v5, v1  }
0x196: {  	v4 =	vadd.f32 v5, v6;
	v5 =	vmin.f32 v6, v5  }
0x197: {  	v8 =	vadd.f32 v1, v7;
	v1 =	vmin.f32 v7, v1;
	v6 =	vmul.f32 v6, v7  }
0x198: {  	v4 =	vmul.f32 $5.000000000e-01, v4  }
0x199: {  	v0 =	vand.u32 $0x7FFFFFFF, v0;
	v7 =	vmul.f32 $5.000000000e-01, v8  }
0x19a: {  	v0 =	vsub.f32 v4, v0  }
0x19b: {  	v2 =	vsub.f32 v7, v2;
	_ =	sdelay $0x1  }
0x19c: {  	v0 =	vclamp.gez.f32 v0, v5;
	v1 =	vclamp.gez.f32 v2, v1  }
0x19d: {  	v0 =	vmul.f32 v0, v1;
	v1 =	vadd.f32 v3, v6;
	_ =	sdelay $0x1  }
0x19e: {  	v1 =	vsub.f32 v1, v0;
	_ =	sdelay $0x1  }
0x19f: {  	(erf) = vrcp.f32 v1;
	_ =	sdelay $0x8  }
0x1a0: {  	v1 =	vpop (erf)  }
0x1a1: {  	v0 =	vmul.f32 v1, v0;
	_ =	sdelay $0x1  }
0x1a2: {  	v0 =	vmul.f32 v0, v0;
	_ =	sdelay $0x1  }
0x1a3: {  	s6 =	sadd.s32 $0xFFFFFFF0, s29;
	v0 =	vsub.f32 $1.000000000e+00, v0  }
0x1a4: {  	s12 =	sand.u32 $0x3, s1;
	s6 =	sand.u32 $0x60, s6  }
0x1a5: {  	s12 =	sshll.u32 s12, $0x5;
	s6 =	sor.u32 s10, s6;
	[tilespmem:s28+$0x4410] =	vst v0  }
0x1a6: {  	s12 =	sadd.s32 s26, s12;
	v0 =	vld [tilespmem:s6+$0x3000]  }
0x1a7: {  	s12 =	sadd.s32 $0x20, s12;
	v1 =	vld [tilespmem:s6+$0x1080]  }
0x1a8: {  	s14 =	sor.u32 $0x180, s12;
	v2 =	vld [tilespmem:s6+$0x1000]  }
0x1a9: {  	v3 =	vld [tilespmem:s14+$0x3000]  }
0x1aa: {  	s12 =	sor.u32 $0x100, s12;
	v4 =	vld [tilespmem:s6+$0x3080]  }
0x1ab: {  	v5 =	vld [tilespmem:s12+$0x1000]  }
0x1ac: {  	v6 =	vld [tilespmem:s12+$0x3000]  }
0x1ad: {  	v7 =	vld [tilespmem:s14+$0x1000];
	_ =	sdelay $0x1  }
0x1ae: {  	v0 =	vsub.f32 v2, v0;
	v1 =	vsub.f32 v1, v4;
	_ =	sdelay $0x1  }
0x1af: {  	v2 =	vadd.f32 v6, v5;
	v4 =	vmin.f32 v5, v6;
	v6 =	vmul.f32 v3, v6  }
0x1b0: {  	v8 =	vadd.f32 v3, v7;
	v3 =	vmin.f32 v7, v3;
	v5 =	vmul.f32 v7, v5  }
0x1b1: {  	v0 =	vand.u32 $0x7FFFFFFF, v0;
	v2 =	vmul.f32 $5.000000000e-01, v2  }
0x1b2: {  	v7 =	vmul.f32 $5.000000000e-01, v8  }
0x1b3: {  	v1 =	vand.u32 $0x7FFFFFFF, v1;
	v0 =	vsub.f32 v2, v0  }
0x1b4: {  	v1 =	vsub.f32 v7, v1;
	_ =	sdelay $0x1  }
0x1b5: {  	v0 =	vclamp.gez.f32 v0, v4;
	v1 =	vclamp.gez.f32 v1, v3  }
0x1b6: {  	v0 =	vmul.f32 v1, v0;
	v1 =	vadd.f32 v6, v5;
	_ =	sdelay $0x1  }
0x1b7: {  	v1 =	vsub.f32 v1, v0;
	_ =	sdelay $0x1  }
0x1b8: {  	(erf) = vrcp.f32 v1;
	_ =	sdelay $0x8  }
0x1b9: {  	v1 =	vpop (erf)  }
0x1ba: {  	v0 =	vmul.f32 v1, v0;
	_ =	sdelay $0x1  }
0x1bb: {  	v0 =	vmul.f32 v0, v0;
	_ =	sdelay $0x1  }
0x1bc: {  	v0 =	vsub.f32 $1.000000000e+00, v0  }
0x1bd: {  	s6 =	sand.u32 $0x70, s29  }
0x1be: {  	s6 =	sor.u32 s10, s6;
	[tilespmem:s28+$0x4420] =	vst v0  }
0x1bf: {  	s10 =	sor.u32 $0x100, s11;
	v1 =	vld [tilespmem:s6+$0x3000]  }
0x1c0: {  	v2 =	vld [tilespmem:s10+$0x1000]  }
0x1c1: {  	v0 =	vld [tilespmem:s6+$0x1080]  }
0x1c2: {  	s11 =	sor.u32 $0x180, s11;
	v3 =	vld [tilespmem:s6+$0x3080]  }
0x1c3: {  	v4 =	vld [tilespmem:s11+$0x1000]  }
0x1c4: {  	v5 =	vld [tilespmem:s6+$0x1000]  }
0x1c5: {  	v7 =	vld [tilespmem:s11+$0x3000]  }
0x1c6: {  	v8 =	vld [tilespmem:s10+$0x3000];
	_ =	sdelay $0x1  }
0x1c7: {  	v3 =	vsub.f32 v0, v3;
	v0 =	vmul.f32 v4, v2  }
.Ltmp7:
0x1c8: {  	v9 =	vsub.f32 v5, v1;
	(pc) =	sbr.rel @p2 .LBB2_7-.Ltmp7, $4  }
0x1c9: {  	v5 =	vadd.f32 v7, v4  }
0x1ca: {  	v10 =	vadd.f32 v8, v2;
	v1 =	vmin.f32 v2, v8;
	v2 =	vmin.f32 v4, v7  }
0x1cb: {  	v6 =	vand.u32 $0x7FFFFFFF, v3;
	v3 =	vmul.f32 v7, v8;
	v4 =	vmul.f32 $5.000000000e-01, v5  }
0x1cc: {  	p1 =	por !p1, !p1;
	s0 =	sadd.s32 $0x4, s0;
	s1 =	sadd.s32 $0x2, s1;
	v7 =	vand.u32 $0x7FFFFFFF, v9;
	v5 =	vmul.f32 $5.000000000e-01, v10  }
0x1cd: {  	_ = 	snop  }
0x1ce: {  	v4 =	vsub.f32 v4, v6;
	v5 =	vsub.f32 v5, v7;
	_ =	sdelay $0x1  }
0x1cf: {  	v2 =	vclamp.gez.f32 v4, v2;
	v1 =	vclamp.gez.f32 v5, v1  }
0x1d0: {  	v0 =	vadd.f32 v3, v0;
	v1 =	vmul.f32 v2, v1;
	_ =	sdelay $0x1  }
0x1d1: {  	v0 =	vsub.f32 v0, v1;
	_ =	sdelay $0x1  }
0x1d2: {  	(erf) = vrcp.f32 v0;
	_ =	sdelay $0x8  }
0x1d3: {  	v0 =	vpop (erf)  }
0x1d4: {  	v0 =	vmul.f32 v0, v1;
	_ =	sdelay $0x1  }
0x1d5: {  	v0 =	vmul.f32 v0, v0  }
.Ltmp8:
0x1d6: {  	s0 =	sshll.u32 s25, $0xA;
	(pc) =	sbr.rel .LBB2_9-.Ltmp8, $4  }
0x1d7: {  	s0 =	sadd.s32 s9, s0;
	v0 =	vsub.f32 $1.000000000e+00, v0  }
0x1d8: {  	s0 =	sshrl.u32 s0, $0x3  }
0x1d9: {  	s0 =	sadd.s32 s2, s0;
	[tilespmem:s28+$0x4430] =	vst v0  }
0x1da: {  	[hbm4b:s0+s3] =	stream.linear.scatter [tilespmem:s17], [sflag:$0x4], $0x400, $0x38;
	[tilespmem:$0x4800] =	vst v63  }
.LBB2_10:
0x1db: {  	_ =	swait.ge [sflag:s18], $0x400  }
.Ltmp9:
0x1dc: {  	[sflag:s18] =	ssyncset.done $0x0;
	(pc) =	sbr.rel @p0 .LBB2_14-.Ltmp9, $4  }
0x1dd: {  	[sflag:s18] =	ssyncadd.s32 $0xFFFFFC00  }
0x1de: {  	_ =	swait.ge [sflag:s19], $0x400  }
0x1df: {  	[sflag:s19] =	ssyncset.done $0x0  }
0x1e0: {  	[sflag:s19] =	ssyncadd.s32 $0xFFFFFC00  }
0x1e1: {  	s0 =	simm.s32 $0x0;
	s1 =	rddreg [dreg:$0x4]  }
0x1e2: {  	[tilespmem:s0], [sflag:$0x5] =	stream.linear.gather [hbm4b:s1+s0], $0x200, $0x38;
	[tilespmem:$0x4800] =	vst v63  }
0x1e3: {  	_ =	swait.ge [sflag:s20], $0x200  }
0x1e4: {  	[sflag:s20] =	ssyncset.done $0x0  }
0x1e5: {  	s6 =	simm.s32 $0x2000;
	s31 =	rddreg [dreg:$0x5];
	[sflag:s20] =	ssyncadd.s32 $0xFFFFFE00  }
0x1e6: {  	[tilespmem:s6], [sflag:$0x5] =	stream.linear.gather [hbm4b:s31+s0], $0x200, $0x38;
	[tilespmem:$0x4800] =	vst v63  }
0x1e7: {  	_ =	swait.ge [sflag:s20], $0x200  }
0x1e8: {  	[sflag:s20] =	ssyncset.done $0x0  }
0x1e9: {  	p1 =	por $0x1, $0x1;
	[sflag:s20] =	ssyncadd.s32 $0xFFFFFE00  }
.LBB2_12:
0x1ea: {  	s0 =	sshll.u32 s0, $0x4  }
0x1eb: {  	v0 =	vld [tilespmem:s0+$0x0]  }
0x1ec: {  	v4 =	vld [tilespmem:s0+$0x2000]  }
0x1ed: {  	v5 =	vld [tilespmem:s0+$0x2100]  }
0x1ee: {  	v6 =	vld [tilespmem:s0+$0x2180]  }
0x1ef: {  	s26 =	sor.u32 $0x100, s0;
	v7 =	vld [tilespmem:s0+$0x2080]  }
0x1f0: {  	s28 =	sor.u32 $0x180, s0;
	v2 =	vld [tilespmem:s26+$0x0]  }
0x1f1: {  	s1 =	sor.u32 $0x80, s0;
	v3 =	vld [tilespmem:s28+$0x0]  }
0x1f2: {  	v1 =	vld [tilespmem:s1+$0x0];
	_ =	sdelay $0x3  }
0x1f3: {  	v8 =	vadd.f32 v5, v2;
	v9 =	vadd.f32 v6, v3  }
0x1f4: {  	v0 =	vsub.f32 v0, v4;
	v1 =	vsub.f32 v1, v7  }
0x1f5: {  	v13 =	vmul.f32 $5.000000000e-01, v8;
	v14 =	vmul.f32 $5.000000000e-01, v9  }
0x1f6: {  	v0 =	vand.u32 $0x7FFFFFFF, v0;
	v1 =	vand.u32 $0x7FFFFFFF, v1  }
0x1f7: {  	v17 =	vmul.f32 v6, v5;
	v0 =	vsub.f32 v13, v0;
	v1 =	vsub.f32 v14, v1  }
0x1f8: {  	v15 =	vmin.f32 v2, v5;
	v16 =	vmin.f32 v3, v6;
	v2 =	vmul.f32 v3, v2  }
0x1f9: {  	v0 =	vclamp.gez.f32 v0, v15;
	v1 =	vclamp.gez.f32 v1, v16  }
0x1fa: {  	v18 =	vadd.f32 v17, v2;
	v0 =	vmul.f32 v1, v0;
	_ =	sdelay $0x1  }
0x1fb: {  	v1 =	vsub.f32 v18, v0;
	_ =	sdelay $0x1  }
0x1fc: {  	(erf) = vrcp.f32 v1;
	_ =	sdelay $0x8  }
0x1fd: {  	v1 =	vpop (erf)  }
0x1fe: {  	v0 =	vmul.f32 v1, v0;
	_ =	sdelay $0x1  }
0x1ff: {  	v0 =	vmul.f32 v0, v0;
	_ =	sdelay $0x1  }
0x200: {  	v0 =	vsub.f32 $1.000000000e+00, v0  }
0x201: {  	s29 =	sand.u32 $0x3FFFFFF0, s0  }
0x202: {  	s30 =	sor.u32 $0x10, s0;
	[tilespmem:s29+$0x4000] =	vst v0  }
0x203: {  	s6 =	sor.u32 $0x90, s0;
	v0 =	vld [tilespmem:s30+$0x0]  }
0x204: {  	s31 =	sor.u32 $0x110, s0;
	v19 =	vld [tilespmem:s6+$0x0]  }
0x205: {  	s10 =	sor.u32 $0x190, s0;
	v20 =	vld [tilespmem:s31+$0x0]  }
0x206: {  	v21 =	vld [tilespmem:s10+$0x0]  }
0x207: {  	v22 =	vld [tilespmem:s0+$0x2010]  }
0x208: {  	v23 =	vld [tilespmem:s0+$0x2110]  }
0x209: {  	v24 =	vld [tilespmem:s0+$0x2190]  }
0x20a: {  	v25 =	vld [tilespmem:s0+$0x2090];
	_ =	sdelay $0x3  }
0x20b: {  	v26 =	vadd.f32 v23, v20;
	v27 =	vadd.f32 v24, v21  }
0x20c: {  	v0 =	vsub.f32 v0, v22;
	v1 =	vsub.f32 v19, v25  }
0x20d: {  	v28 =	vmul.f32 $5.000000000e-01, v26;
	v29 =	vmul.f32 $5.000000000e-01, v27  }
0x20e: {  	v0 =	vand.u32 $0x7FFFFFFF, v0;
	v1 =	vand.u32 $0x7FFFFFFF, v1  }
0x20f: {  	v30 =	vmin.f32 v20, v23;
	v0 =	vsub.f32 v28, v0;
	v1 =	vsub.f32 v29, v1  }
0x210: {  	v31 =	vmin.f32 v21, v24;
	v2 =	vmul.f32 v21, v20;
	v32 =	vmul.f32 v24, v23  }
0x211: {  	v0 =	vclamp.gez.f32 v0, v30;
	v1 =	vclamp.gez.f32 v1, v31  }
0x212: {  	v33 =	vadd.f32 v32, v2;
	v0 =	vmul.f32 v1, v0;
	_ =	sdelay $0x1  }
0x213: {  	v1 =	vsub.f32 v33, v0;
	_ =	sdelay $0x1  }
0x214: {  	(erf) = vrcp.f32 v1;
	_ =	sdelay $0x8  }
0x215: {  	v1 =	vpop (erf)  }
0x216: {  	v0 =	vmul.f32 v1, v0;
	_ =	sdelay $0x1  }
0x217: {  	v0 =	vmul.f32 v0, v0;
	_ =	sdelay $0x1  }
0x218: {  	v0 =	vsub.f32 $1.000000000e+00, v0  }
0x219: {  	s1 =	sand.u32 $0x3FFFFFF0, s30  }
0x21a: {  	s11 =	sor.u32 $0x20, s0;
	[tilespmem:s1+$0x4000] =	vst v0  }
0x21b: {  	s12 =	sor.u32 $0xA0, s0;
	v0 =	vld [tilespmem:s11+$0x0]  }
0x21c: {  	s14 =	sor.u32 $0x120, s0;
	v34 =	vld [tilespmem:s12+$0x0]  }
0x21d: {  	s25 =	sor.u32 $0x1A0, s0;
	v35 =	vld [tilespmem:s14+$0x0]  }
0x21e: {  	v36 =	vld [tilespmem:s25+$0x0]  }
0x21f: {  	v37 =	vld [tilespmem:s0+$0x2020]  }
0x220: {  	v38 =	vld [tilespmem:s0+$0x2120]  }
0x221: {  	v39 =	vld [tilespmem:s0+$0x21A0]  }
0x222: {  	v40 =	vld [tilespmem:s0+$0x20A0];
	_ =	sdelay $0x3  }
0x223: {  	v41 =	vadd.f32 v38, v35;
	v42 =	vadd.f32 v39, v36  }
0x224: {  	v0 =	vsub.f32 v0, v37;
	v1 =	vsub.f32 v34, v40  }
0x225: {  	v43 =	vmul.f32 $5.000000000e-01, v41;
	v44 =	vmul.f32 $5.000000000e-01, v42  }
0x226: {  	v0 =	vand.u32 $0x7FFFFFFF, v0;
	v1 =	vand.u32 $0x7FFFFFFF, v1  }
0x227: {  	v45 =	vmin.f32 v35, v38;
	v0 =	vsub.f32 v43, v0;
	v1 =	vsub.f32 v44, v1  }
0x228: {  	v46 =	vmin.f32 v36, v39;
	v2 =	vmul.f32 v36, v35;
	v47 =	vmul.f32 v39, v38  }
0x229: {  	v0 =	vclamp.gez.f32 v0, v45;
	v1 =	vclamp.gez.f32 v1, v46  }
0x22a: {  	v48 =	vadd.f32 v47, v2;
	v0 =	vmul.f32 v1, v0;
	_ =	sdelay $0x1  }
0x22b: {  	v1 =	vsub.f32 v48, v0;
	_ =	sdelay $0x1  }
0x22c: {  	(erf) = vrcp.f32 v1;
	_ =	sdelay $0x8  }
0x22d: {  	v1 =	vpop (erf)  }
0x22e: {  	v0 =	vmul.f32 v1, v0;
	_ =	sdelay $0x1  }
0x22f: {  	v0 =	vmul.f32 v0, v0;
	_ =	sdelay $0x1  }
0x230: {  	v0 =	vsub.f32 $1.000000000e+00, v0  }
0x231: {  	s1 =	sand.u32 $0x3FFFFFF0, s11  }
0x232: {  	s26 =	sor.u32 $0x30, s0;
	[tilespmem:s1+$0x4000] =	vst v0  }
0x233: {  	s28 =	sor.u32 $0xB0, s0;
	v0 =	vld [tilespmem:s26+$0x0]  }
0x234: {  	s29 =	sor.u32 $0x130, s0;
	v49 =	vld [tilespmem:s28+$0x0]  }
0x235: {  	s30 =	sor.u32 $0x1B0, s0;
	v50 =	vld [tilespmem:s29+$0x0]  }
0x236: {  	v51 =	vld [tilespmem:s30+$0x0]  }
0x237: {  	v52 =	vld [tilespmem:s0+$0x2030]  }
0x238: {  	v53 =	vld [tilespmem:s0+$0x2130]  }
0x239: {  	v54 =	vld [tilespmem:s0+$0x21B0]  }
0x23a: {  	v55 =	vld [tilespmem:s0+$0x20B0];
	_ =	sdelay $0x3  }
0x23b: {  	v56 =	vadd.f32 v53, v50;
	v57 =	vadd.f32 v54, v51  }
0x23c: {  	v0 =	vsub.f32 v0, v52;
	v1 =	vsub.f32 v49, v55  }
0x23d: {  	v58 =	vmul.f32 $5.000000000e-01, v56;
	v59 =	vmul.f32 $5.000000000e-01, v57  }
0x23e: {  	v0 =	vand.u32 $0x7FFFFFFF, v0;
	v1 =	vand.u32 $0x7FFFFFFF, v1  }
0x23f: {  	v60 =	vmin.f32 v50, v53;
	v0 =	vsub.f32 v58, v0;
	v1 =	vsub.f32 v59, v1  }
0x240: {  	v61 =	vmin.f32 v51, v54;
	v2 =	vmul.f32 v51, v50;
	v62 =	vmul.f32 v54, v53  }
0x241: {  	v0 =	vclamp.gez.f32 v0, v60;
	v1 =	vclamp.gez.f32 v1, v61  }
0x242: {  	v63 =	vadd.f32 v62, v2;
	v0 =	vmul.f32 v1, v0;
	_ =	sdelay $0x1  }
0x243: {  	v1 =	vsub.f32 v63, v0;
	_ =	sdelay $0x1  }
0x244: {  	(erf) = vrcp.f32 v1;
	_ =	sdelay $0x8  }
0x245: {  	v1 =	vpop (erf)  }
0x246: {  	v0 =	vmul.f32 v1, v0  }
0x247: {  	p2 =	por p1, p1  }
.Ltmp10:
0x248: {  	v0 =	vmul.f32 v0, v0;
	(pc) =	sbr.rel @p2 .LBB2_12-.Ltmp10, $4  }
0x249: {  	_ = 	snop  }
0x24a: {  	v0 =	vsub.f32 $1.000000000e+00, v0  }
0x24b: {  	s31 =	sand.u32 $0x3FFFFFF0, s26  }
0x24c: {  	p1 =	por $0x0, $0x0;
	s0 =	simm.s32 $0x4;
	[tilespmem:s31+$0x4000] =	vst v0  }
.Ltmp11:
0x24d: {  	s0 =	rddreg [dreg:$0x6];
	(pc) =	sbr.rel .LBB2_14-.Ltmp11, $4  }
0x24e: {  	[hbm4b:s0+s3] =	stream.linear.scatter [tilespmem:s21], [sflag:$0x5], $0x80, $0x38;
	[tilespmem:$0x4800] =	vst v63  }
0x24f: {  	_ =	swait.ge [sflag:s20], $0x80  }
0x250: {  	[sflag:s20] =	ssyncset.done $0x0  }
0x251: {  	[sflag:s20] =	ssyncadd.s32 $0xFFFFFF80  }
.LBB2_15:
0x252: {  	_ =	sfence.sel $0x180000  }
0x253: {  	[bflag:$0x0] =	sbarrier.arrive $0xFFFF  }
0x254: {  	_ =	strace $0x9000004D  }
0x255: {  	s0 =	stileid.u32;
	[bflag:$0x2] =	sbarrier.arrive $0xFFFF  }
0x256: {  	p0 =	sne.s32 s0, $0x0;
	s0 =	rddreg [dreg:$0x2]  }
0x257: {  	s0 =	sadd.s32 @!p0 $0x100000, s0  }
0x258: {  	[sflag:s0] =	ssyncadd.tile.s32 @!p0 $0x1;
	_ =	shalt  }
.Lfunc_end2:
_tile_overlayer_lowered:
.L_overlay_start_2:
0x259: {  	(tag) =	ssettag $0x2  }
0x25a: {  	s0 =	rddreg [dreg:$0x0];
	s2 =	stileid.u32  }
0x25b: {  	s1 =	rddreg [dreg:$0x1];
	p0 =	sne.s32 s2, $0x0  }
0x25c: {  	s3 =	rddreg [dreg:$0x2];
	[bflag:$0x3] =	sbarrier.arrive $0xFFFF;
	s2 =	simm.s32 @!p0 $0x1C05  }
0x25d: {  	[timem:s3], [sflag:s2] =	dma.local @!p0 [hbm:s0], s1  }
0x25e: {  	s0 =	simm.s32 @!p0 $0x5  }
0x25f: {  	_ =	swait.ge @!p0 [sflag:s0], s1  }
0x260: {  	s1 =	ssub.s32 @!p0 $0x0, s1;
	[sflag:s0] =	ssyncset.done @!p0 $0x0  }
0x261: {  	[sflag:s0] =	ssyncadd.s32 @!p0 s1  }
0x262: {  	[bflag:$0x3] =	sbarrier.arrive $0xFFFF  }
0x263: {  	_ =	shalt  }

// kernel: sparse-core-data-format-call.1.cloned.1.call-start
scs
called_computation.1_lowered:
.L_overlay_start_0:
0x0: {  	s1 =	sld [smem:$0x3FD9]  }
0x1: {  	s2 =	sld [smem:$0x3FFE];
	_ =	sdelay $0x1  }
0x2: {  	s3 =	srdreg.scid  }
0x3: {  	s0 =	sand.u32 $0x1, s3  }
0x4: {  	s17 =	sshll.u32 s0, $0xA;
	s1 =	sadd.s32 s2, s1  }
0x5: {  	s1 =	sadd.s32 s1, s17  }
0x6: {  	[smem:$0x3FC6] =	sst s1  }
0x7: {  	_ = 	snop  }
0x8: {  	(tm) =	ssettm $0x1  }
0x9: {  	s18 =	sld [smem:$0x3FFB];
	_ =	sdelay $0x3  }
0xa: {  	_ =	strace s18  }
0xb: {  	s1 =	sld [smem:$0x3FFC];
	_ =	sdelay $0x3  }
0xc: {  	_ =	strace s1  }
0xd: {  	s1 =	sld [smem:$0x3FFD];
	_ =	sdelay $0x3  }
0xe: {  	_ =	strace s1  }
0xf: {  	_ =	strace $0x8FFFFFFF  }
0x10: {  	s19 =	sld [smem:$0x3FDB];
	_ =	sdelay $0x1  }
0x11: {  	s20 =	simm.s32 $_scs_section_size  }
0x12: {  	s4 =	simm.s32 $_size__tile_overlayer_lowered;
	s5 =	simm.s32 $_tile_overlayer_lowered  }
0x13: {  	s23 =	simm.s32 $0x1BFF;
	s22 =	sshll.u32 s5, $0x1;
	s1 =	sadd.s32 s20, s19  }
0x14: {  	s6 =	simm.s32 $0x0;
	s21 =	sshll.u32 s4, $0x1;
	s4 =	sadd.s32 s22, s1  }
0x15: {  	[timem:s6], [sflag:s23] =	dma.local [hbm:s4], s21  }
0x16: {  	_ =	swait.ge [sflag:s23], s21  }
0x17: {  	s2 =	ssub.s32 $0x0, s21;
	[sflag:s23] =	ssyncset.done $0x0  }
0x18: {  	[sflag:s23] =	ssyncadd.s32 s2;
	_ =	sdelay $0x1  }
0x19: {  	s24 =	simm.s32 $0x1B8B  }
0x1a: {  	_ =	swait.ge [sflag:s24], $0x1  }
0x1b: {  	[sflag:s24] =	ssyncset.done $0x0  }
0x1c: {  	s26 =	simm.s32 $0x1B8E;
	s25 =	sld [smem:$0x3FFE];
	[sflag:s24] =	ssyncadd.s32 $0xFFFFFFFF  }
0x1d: {  	s27 =	simm.s32 $execute0_lowered;
	[smem:$0x3FD2] =	sst s26  }
0x1e: {  	s4 =	sshll.u32 s27, $0x1;
	_ =	strace $0x80000046;
	[dreg:$0x1] =	wrdreg $0xFFFFFFFF  }
0x1f: {  	s28 =	simm.s32 $_size_execute0_lowered;
	s1 =	sadd.s32 s1, s4;
	[dreg:$0x0] =	wrdreg $0x0  }
0x20: {  	s4 =	sshll.u32 s28, $0x1;
	[dreg:$0x2] =	wrdreg s1  }
0x21: {  	[dreg:$0x3] =	wrdreg s4  }
0x22: {  	[dreg:$0x4] =	wrdreg $0xC0  }
0x23: {  	_ =	task [dreg:s6], $0x5FFFF  }
0x24: {  	[dreg:$0x1] =	wrdreg $0xFFFFFFFF  }
0x25: {  	[dreg:$0x0] =	wrdreg $0x60  }
0x26: {  	[dreg:$0x2] =	wrdreg s25  }
0x27: {  	[dreg:$0x3] =	wrdreg $0xA  }
0x28: {  	_ =	task.clear_ibuf [dreg:s6], $0x4FFFF;
	_ =	strace $0x90000046  }
0x29: {  	s29 =	simm.s32 $0xA;
	_ =	strace $0x80000048  }
0x2a: {  	_ =	swait.ge [sflag:s29], $0x1  }
0x2b: {  	[sflag:s29] =	ssyncadd.s32 $0xFFFFFFFF  }
0x2c: {  	_ =	strace $0x90000048  }
0x2d: {  	_ =	sfence  }
0x2e: {  	s30 =	sld [smem:$0x0];
	_ =	sdelay $0x2  }
0x2f: {  	s31 =	sshll.u32 s3, $0xD;
	s3 =	sshrl.u32 s3, $0x2  }
0x30: {  	s2 =	sand.u32 $0x4000, s31;
	s1 =	sadd.s32 s3, s30  }
0x31: {  	s0 =	sor.u32 s2, s0;
	s1 =	sshll.u32 s1, $0x11  }
0x32: {  	s0 =	sor.u32 s1, s0  }
0x33: {  	s0 =	sadd.s32 $0x8F2B, s0  }
0x34: {  	[sflag:s0] =	ssyncadd.remote.s32 $0x1  }
0x35: {  	_ =	sfence.sel $0xFFFF  }
0x36: {  	[dreg:$0x0] =	wrdreg $0xFFFFFFFF;
	(pc) =	sbr.abs _section_cstart, $3  }
0x37: {  	[dreg:$0x1] =	wrdreg $0xFFFFFFFF  }
0x38: {  	_ =	task.clear_ibuf [dreg:s6], $0x2FFFF;
	_ =	strace $0x9FFFFFFF  }
0x39: {  	(tm) =	ssettm $0x7FFFFFFF  }
tec
execute0_lowered:
.L_overlay_start_1:
0x0: {  	(tag) =	ssettag $0x1  }
0x1: {  	s0 =	rddreg [dreg:$0x0]  }
0x2: {  	s6 =	stileid.u32;
	s1 =	srdreg.scid  }
0x3: {  	_ =	strace $0x80000047;
	s5 =	simm.s32 $0x1;
	s31 =	simm.s32 $0x2  }
0x4: {  	s18 =	simm.s32 $0x0;
	s9 =	simm.s32 $0x80;
	s10 =	simm.s32 $0x200  }
0x5: {  	s11 =	simm.s32 $0x0;
	s17 =	simm.s32 $0x0;
	s12 =	simm.s32 $0x0  }
0x6: {  	s13 =	simm.s32 $0x0;
	s3 =	sshll.u32 s6, $0x5;
	s1 =	sshll.u32 s1, $0x9  }
.Ltmp0:
0x7: {  	s16 =	simm.s32 $0x0;
	s1 =	sor.u32 s3, s1;
	(pc) =	sbr.rel .LBB1_1-.Ltmp0, $4  }
0x8: {  	s25 =	simm.s32 $0x0;
	s2 =	sadd.s32 $0xC00, s0;
	s4 =	sand.u32 $0x380, s1  }
0x9: {  	[sflag:s5] =	ssyncpa.u1 $0x0;
	s6 =	sand.u32 $0x3, s6;
	s1 =	ssub.s32 $0x7A00, s4  }
0xa: {  	s3 =	sadd.s32 $0x1E9200, s0;
	[sflag:s31] =	ssyncpa.u1 $0x0;
	s7 =	sshrl.u32 s1, $0xA  }
0xb: {  	s15 =	smov.u32 s6;
	s14 =	smov.u32 s4;
	s8 =	sadd.s32 $0x2, s7  }
.LBB1_11:
0xc: {  	p0 =	sgt.s32 s12, $0x7992;
	s0 =	smov.u32 s12  }
0xd: {  	s0 =	simm.s32 @!p0 $0x7992  }
0xe: {  	s0 =	sadd.s32 s19, s0  }
0xf: {  	s1 =	sadd.s32 $0xFFFF866E, s0  }
0x10: {  	s0 =	ssub.s32 $0x7A12, s0;
	p0 =	sgt.s32 s1, $0x7F  }
0x11: {  	s29 =	sshll.u32 s13, $0x4;
	s0 =	simm.s32 @p0 $0x0  }
0x12: {  	s1 =	sand.u32 $0x30, s29;
	s0 =	smul.u32 s0, s20  }
0x13: {  	s30 =	sshll.u32 s12, $0x6;
	s1 =	sadd.s32 s3, s1  }
0x14: {  	s31 =	sor.u32 $0x8000, s21;
	s1 =	sadd.s32 s30, s1;
	s0 =	sand.u32 $0x3FFFFF80, s0  }
0x15: {  	[hbm4b:s1+s9] =	stream.strided.scatter [tilespmem:s31], [sflag:$0x2], s0, s10, s9, $0x38;
	[tilespmem:$0x10000] =	vst v63  }
.LBB1_12:
0x16: {  	p0 =	slt.u32 s16, $0x2  }
0x17: {  	p1 =	sgt.s32 @!p0 s18, $0x7992  }
0x18: {  	s0 =	smov.u32 s18;
	s1 =	sshra.s32 @!p0 s18, $0x1F;
	p1 =	por !p1, p0  }
0x19: {  	s19 =	sshra.s32 @!p0 s17, $0x1F;
	s0 =	simm.s32 @p1 $0x7992;
	p1 =	sgt.s32 @!p0 s17, $0x3  }
0x1a: {  	s1 =	sand.u32 @!p0 s1, s18;
	s18 =	smov.u32 s17;
	p1 =	por !p1, p0  }
0x1b: {  	s0 =	ssub.s32 @!p0 s0, s1;
	s1 =	sand.u32 @!p0 s19, s17;
	s18 =	simm.s32 @p1 $0x3  }
0x1c: {  	s1 =	ssub.s32 @!p0 s18, s1  }
0x1d: {  	s17 =	sadd.s32 @!p0 $0xFFFF866E, s0;
	s0 =	ssub.s32 @!p0 $0x7A12, s0;
	s1 =	sadd.s32 @!p0 $0xFFFFFFFD, s1  }
0x1e: {  	p1 =	sgt.s32 @!p0 s17, $0x7F;
	p2 =	sgt.s32 @!p0 s1, $0x0;
	s1 =	sshll.u32 @!p0 s1, $0x7  }
0x1f: {  	p1 =	por !p1, p0;
	s1 =	ssub.s32 @!p0 $0x80, s1;
	p2 =	por !p2, p0  }
0x20: {  	s0 =	simm.s32 @!p1 $0x0;
	s1 =	simm.s32 @!p2 $0x0  }
0x21: {  	s0 =	smul.u32 @!p0 s0, s1;
	s1 =	sadd.s32 $0x400, s14  }
0x22: {  	s20 =	smov.u32 s15;
	s17 =	sadd.s32 $0x4, s15;
	p1 =	sgt.s32 s1, $0x7A11  }
0x23: {  	s20 =	smov.u32 @p1 s17  }
0x24: {  	s1 =	smov.u32 @p1 s4;
	p1 =	sgt.s32 s20, $0x3  }
0x25: {  	s20 =	smov.u32 @p1 s6;
	p1 =	sne.s32 s16, s8  }
.Ltmp1:
0x26: {  	s11 =	sadd.s32 $0x4000, s11;
	s19 =	simm.s32 @!p0 $0x2;
	(pc) =	sbr.rel @!p1 .LBB1_13-.Ltmp1, $4  }
0x27: {  	s18 =	smov.u32 s12;
	s12 =	smov.u32 s14;
	s0 =	sand.u32 @!p0 $0x3FFFFF80, s0  }
0x28: {  	s17 =	smov.u32 s13;
	s13 =	smov.u32 s15;
	_ =	swait.ge @!p0 [sflag:s19], s0  }
0x29: {  	s0 =	ssub.s32 @!p0 $0x0, s0;
	s14 =	smov.u32 s1;
	[sflag:s19] =	ssyncset.done @!p0 $0x0  }
0x2a: {  	s16 =	sadd.s32 $0x1, s16;
	[sflag:s19] =	ssyncadd.s32 @!p0 s0;
	s15 =	smov.u32 s20  }
.LBB1_1:
0x2b: {  	p0 =	sgt.u32 s16, s7;
	s1 =	smov.u32 s15  }
0x2c: {  	s21 =	smov.u32 s14;
	p1 =	sgt.s32 @!p0 s15, $0x3;
	s0 =	sand.u32 @!p0 $0x1FFFFFF, s14  }
0x2d: {  	s20 =	sshra.s32 @!p0 s15, $0x1F;
	s22 =	sshra.s32 @!p0 s14, $0x1F;
	p1 =	por !p1, p0  }
0x2e: {  	s19 =	smulhi.u32 @!p0 $0x10C6249, s0;
	s1 =	simm.s32 @p1 $0x3;
	p1 =	sgt.s32 @!p0 s14, $0x7998  }
0x2f: {  	s20 =	sand.u32 @!p0 s20, s15;
	s22 =	sand.u32 @!p0 s22, s14;
	p1 =	por !p1, p0  }
0x30: {  	s1 =	ssub.s32 @!p0 s1, s20;
	s19 =	sshrl.u32 @!p0 s19, $0x7;
	s21 =	simm.s32 @p1 $0x7998  }
0x31: {  	s1 =	sadd.s32 @!p0 $0xFFFFFFFD, s1;
	s19 =	smul.u32 @!p0 $0x7A18, s19;
	s20 =	ssub.s32 @!p0 s21, s22  }
0x32: {  	p1 =	sgt.s32 @!p0 s1, $0x0;
	s1 =	sshll.u32 @!p0 s1, $0x7;
	s21 =	sadd.s32 @!p0 $0xFFFF8668, s20  }
0x33: {  	s22 =	smul.u32 @!p0 $0x7A180, s15;
	s20 =	ssub.s32 @!p0 $0x7A18, s20;
	p2 =	sgt.s32 @!p0 s21, $0x7F  }
0x34: {  	s1 =	ssub.s32 @!p0 $0x80, s1;
	p1 =	por !p1, p0;
	p2 =	por !p2, p0  }
0x35: {  	s21 =	sxor.u32 @!p0 $0xFFFFFFFF, s16;
	s1 =	simm.s32 @!p1 $0x0;
	s20 =	simm.s32 @!p2 $0x0  }
0x36: {  	s0 =	ssub.s32 @!p0 s0, s19;
	s19 =	sshll.u32 @!p0 s21, $0xE;
	s1 =	smul.u32 @!p0 s20, s1  }
0x37: {  	s0 =	sshll.u32 @!p0 s0, $0x4;
	s19 =	sand.u32 @!p0 $0x4000, s19;
	s20 =	sadd.s32 @!p0 s2, s22  }
0x38: {  	s0 =	sadd.s32 @!p0 s0, s20;
	s20 =	simm.s32 @!p0 $0x0;
	s1 =	sand.u32 @!p0 $0x3FFFFF80, s1  }
0x39: {  	[tilespmem:s19], [sflag:$0x1] =	stream.linear.gather @!p0 [hbm4b:s0+s20], s1, $0x38;
	[tilespmem:$0x10000] =	vst v63  }
0x3a: {  	p0 =	seq.s32 s16, $0x0  }
0x3b: {  	p1 =	sge.u32 @!p0 s16, s8  }
0x3c: {  	p0 =	por p0, p1  }
.Ltmp2:
0x3d: {  	_ = 	snop;
	(pc) =	sbr.rel @p0 .LBB1_12-.Ltmp2, $1  }
0x3e: {  	_ =	sdelay $0x3  }
0x3f: {  	p0 =	sgt.s32 s13, $0x3;
	s0 =	smov.u32 s13;
	s1 =	sshra.s32 s13, $0x1F  }
0x40: {  	s19 =	ssub.s32 $0x0, s12;
	s0 =	simm.s32 @!p0 $0x3;
	s1 =	sand.u32 s1, s13  }
0x41: {  	s20 =	sshra.s32 s12, $0x1F;
	s21 =	smov.u32 s12;
	s0 =	ssub.s32 s0, s1  }
0x42: {  	p0 =	sgt.s32 s12, $0x7998;
	s19 =	sand.u32 s19, s20;
	s0 =	sadd.s32 $0xFFFFFFFD, s0  }
0x43: {  	s21 =	simm.s32 @!p0 $0x7998;
	p0 =	sgt.s32 s0, $0x0;
	s0 =	sshll.u32 s0, $0x7  }
0x44: {  	s28 =	sadd.s32 s19, s21;
	s20 =	ssub.s32 $0x80, s0;
	s0 =	sadd.s32 $0x1, s13  }
0x45: {  	s21 =	sadd.s32 $0x80, s12;
	s20 =	simm.s32 @p0 $0x0;
	p0 =	slt.s32 s0, $0x4  }
0x46: {  	s29 =	sadd.s32 $0xFFFF8668, s28;
	s0 =	simm.s32 @!p0 $0x4;
	p0 =	slt.s32 s21, $0x7A12  }
0x47: {  	s1 =	ssub.s32 $0x7A18, s28;
	s22 =	ssub.s32 s0, s13;
	s21 =	simm.s32 @!p0 $0x7A12  }
0x48: {  	p1 =	sgt.s32 s29, $0x7F;
	s23 =	ssub.s32 s21, s12;
	p0 =	slt.s32 s22, $0x1  }
0x49: {  	s1 =	simm.s32 @p1 $0x0;
	p1 =	slt.s32 @!p0 s23, $0x1  }
0x4a: {  	s1 =	smul.u32 s1, s20;
	p0 =	por p0, p1  }
.Ltmp3:
0x4b: {  	_ = 	snop;
	(pc) =	sbr.rel @p0 .LBB1_11-.Ltmp3, $4  }
0x4c: {  	s30 =	sand.u32 $0x3FFFFF80, s1  }
0x4d: {  	_ =	swait.ge [sflag:s5], s30  }
0x4e: {  	s31 =	sshll.u32 s16, $0xE;
	s1 =	ssub.s32 $0x0, s30;
	[sflag:s5] =	ssyncset.done $0x0  }
0x4f: {  	s21 =	sand.u32 $0x4000, s31;
	[sflag:s5] =	ssyncadd.s32 s1  }
0x50: {  	s0 =	sshll.u32 s11, $0x2  }
0x51: {  	s0 =	sand.u32 $0x10000, s0  }
0x52: {  	s0 =	sshrl.u32 s0, $0x2  }
0x53: {  	s26 =	simm.s32 $0x0;
	s27 =	simm.s32 $0x0;
	s24 =	sadd.s32 $0x8040, s0  }
.LBB1_4:
0x54: {  	s0 =	sshll.u32 s27, $0x10  }
0x55: {  	s0 =	sshra.s32 s0, $0x2  }
0x56: {  	p1 =	sne.s32 s23, $0x1;
	s0 =	sadd.s32 s0, s21  }
.Ltmp4:
0x57: {  	v0 =	vmov s0;
	(pc) =	sbr.rel @!p1 .LBB1_5-.Ltmp4, $3  }
0x58: {  	_ =	sdelay $0x1  }
0x59: {  	s1 =	sand.u32 $0x180, s26;
	s30 =	sand.u32 $0x3F80, s25  }
0x5a: {  	p0 =	por $0x0, $0x0;
	s28 =	sadd.s32 s1, s24;
	s1 =	sadd.s32 $0xFFFFFFFF, s23  }
0x5b: {  	_ =	sdelay $0x3  }
0x5c: {  	v6 =	vld.idx.msk [tilespmem:v0+s30+$0x70 ss:$0x1], $0xffff  }
0x5d: {  	v7 =	vld.idx.msk [tilespmem:v0+s30+$0x0 ss:$0x1], $0xffff  }
0x5e: {  	v1 =	vld.idx.msk [tilespmem:v0+s30+$0x10 ss:$0x1], $0xffff;
	p1 =	sne.s32 s1, $0x1  }
.Ltmp5:
0x5f: {  	v2 =	vld.idx.msk [tilespmem:v0+s30+$0x20 ss:$0x1], $0xffff;
	(pc) =	sbr.rel @!p1 .LBB1_7-.Ltmp5, $4  }
0x60: {  	v3 =	vld.idx.msk [tilespmem:v0+s30+$0x30 ss:$0x1], $0xffff  }
0x61: {  	v4 =	vld.idx.msk [tilespmem:v0+s30+$0x40 ss:$0x1], $0xffff  }
0x62: {  	v5 =	vld.idx.msk [tilespmem:v0+s30+$0x50 ss:$0x1], $0xffff;
	s0 =	simm.s32 $0x80;
	s1 =	sadd.s32 $0xFFFFFFFF, s1;
	[tilespmem:s28+$0x30] =	vst v6  }
0x63: {  	p0 =	por $0x1, $0x1;
	s29 =	smov.u32 s28;
	s31 =	sand.u32 $0x3F80, s0;
	[tilespmem:s28+$0xFFFFFFC0] =	vst v7;
	v6 =	vld.idx.msk [tilespmem:v0+s30+$0x60 ss:$0x1], $0xffff  }
.LBB1_8:
0x64: {  	p1 =	sne.s32 s1, $0x1;
	v7 =	vld.idx.msk [tilespmem:v0+s31+$0x70 ss:$0x1], $0xffff;
	[tilespmem:s29+$0xFFFFFFD0] =	vst v1  }
0x65: {  	v8 =	vld.idx.msk [tilespmem:v0+s31+$0x0 ss:$0x1], $0xffff;
	[tilespmem:s29+$0xFFFFFFE0] =	vst v2  }
0x66: {  	v1 =	vld.idx.msk [tilespmem:v0+s31+$0x10 ss:$0x1], $0xffff;
	[tilespmem:s29+$0xFFFFFFF0] =	vst v3  }
.Ltmp6:
0x67: {  	v2 =	vld.idx.msk [tilespmem:v0+s31+$0x20 ss:$0x1], $0xffff;
	[tilespmem:s29+$0x0] =	vst v4;
	(pc) =	sbr.rel @p1 .LBB1_8-.Ltmp6, $4  }
0x68: {  	v3 =	vld.idx.msk [tilespmem:v0+s31+$0x30 ss:$0x1], $0xffff;
	[tilespmem:s29+$0x10] =	vst v5  }
0x69: {  	v4 =	vld.idx.msk [tilespmem:v0+s31+$0x40 ss:$0x1], $0xffff;
	[tilespmem:s29+$0x20] =	vst v6;
	s29 =	sadd.s32 $0x80, s29  }
0x6a: {  	s0 =	sadd.s32 $0x80, s0;
	v5 =	vld.idx.msk [tilespmem:v0+s31+$0x50 ss:$0x1], $0xffff;
	[tilespmem:s29+$0x30] =	vst v7  }
0x6b: {  	s1 =	sadd.s32 $0xFFFFFFFF, s1;
	[tilespmem:s29+$0xFFFFFFC0] =	vst v8;
	v6 =	vld.idx.msk [tilespmem:v0+s31+$0x60 ss:$0x1], $0xffff;
	s31 =	sand.u32 $0x3F80, s0  }
0x6c: {  	s30 =	smov.u32 s31  }
.LBB1_10:
0x6d: {  	_ =	sdelay $0x2  }
0x6e: {  	[tilespmem:s29+$0xFFFFFFD0] =	vst @p0 v1  }
0x6f: {  	v56 =	vld.idx.msk [tilespmem:v0+s30+$0x70 ss:$0x1], $0xffff;
	[tilespmem:s29+$0xFFFFFFE0] =	vst @p0 v2  }
0x70: {  	v57 =	vld.idx.msk [tilespmem:v0+s30+$0x0 ss:$0x1], $0xffff;
	[tilespmem:s29+$0xFFFFFFF0] =	vst @p0 v3  }
0x71: {  	v58 =	vld.idx.msk [tilespmem:v0+s30+$0x10 ss:$0x1], $0xffff;
	[tilespmem:s29+$0x0] =	vst @p0 v4  }
0x72: {  	v59 =	vld.idx.msk [tilespmem:v0+s30+$0x20 ss:$0x1], $0xffff;
	s0 =	sadd.s32 @p0 $0x80, s29;
	[tilespmem:s29+$0x10] =	vst @p0 v5  }
0x73: {  	v60 =	vld.idx.msk [tilespmem:v0+s30+$0x30 ss:$0x1], $0xffff;
	s28 =	smov.u32 @p0 s0;
	[tilespmem:s29+$0x20] =	vst @p0 v6  }
0x74: {  	v61 =	vld.idx.msk [tilespmem:v0+s30+$0x40 ss:$0x1], $0xffff;
	[tilespmem:s28+$0x30] =	vst v56  }
0x75: {  	v62 =	vld.idx.msk [tilespmem:v0+s30+$0x50 ss:$0x1], $0xffff;
	s27 =	sadd.s32 $0x1, s27;
	[tilespmem:s28+$0xFFFFFFC0] =	vst v57  }
0x76: {  	v63 =	vld.idx.msk [tilespmem:v0+s30+$0x60 ss:$0x1], $0xffff;
	p0 =	sne.s32 s27, s22;
	[tilespmem:s28+$0xFFFFFFD0] =	vst v58  }
.Ltmp7:
0x77: {  	[tilespmem:s28+$0xFFFFFFE0] =	vst v59;
	(pc) =	sbr.rel @p0 .LBB1_4-.Ltmp7, $4  }
.Ltmp8:
0x78: {  	[tilespmem:s28+$0xFFFFFFF0] =	vst v60;
	(pc) =	sbr.rel @!p0 .LBB1_11-.Ltmp8, $4  }
0x79: {  	[tilespmem:s28+$0x0] =	vst v61  }
0x7a: {  	[tilespmem:s28+$0x10] =	vst v62  }
0x7b: {  	s26 =	sadd.s32 $0x80, s26;
	[tilespmem:s28+$0x20] =	vst v63  }
0x7c: {  	_ = 	snop  }
.LBB1_5:
.Ltmp9:
0x7d: {  	(pc) =	sbr.rel .LBB1_10-.Ltmp9, $2  }
0x7e: {  	_ =	sdelay $0x2  }
0x7f: {  	s29 =	smov.u32 s28  }
.LBB1_7:
.Ltmp10:
0x80: {  	(pc) =	sbr.rel .LBB1_10-.Ltmp10, $2  }
0x81: {  	_ =	sdelay $0x2  }
0x82: {  	s30 =	smov.u32 s31;
	s29 =	smov.u32 s28  }
.LBB1_13:
0x83: {  	_ =	sfence.sel $0x180000  }
0x84: {  	s0 =	simm.s32 $0x1;
	[bflag:$0x0] =	sbarrier.arrive $0xFFFF  }
0x85: {  	s30 =	simm.s32 $0x2;
	[sflag:s0] =	ssyncpa.u1 $0x1  }
0x86: {  	[sflag:s30] =	ssyncpa.u1 $0x1  }
0x87: {  	_ =	strace $0x90000047  }
0x88: {  	s31 =	stileid.u32;
	[bflag:$0x2] =	sbarrier.arrive $0xFFFF  }
0x89: {  	p0 =	sne.s32 s31, $0x0;
	s0 =	rddreg [dreg:$0x1]  }
0x8a: {  	s0 =	sadd.s32 @!p0 $0x100000, s0  }
0x8b: {  	[sflag:s0] =	ssyncadd.tile.s32 @!p0 $0x1;
	_ =	shalt  }
.Lfunc_end1:
_tile_overlayer_lowered:
.L_overlay_start_2:
0x8c: {  	(tag) =	ssettag $0x2  }
0x8d: {  	s0 =	rddreg [dreg:$0x0];
	s2 =	stileid.u32  }
0x8e: {  	s1 =	rddreg [dreg:$0x1];
	p0 =	sne.s32 s2, $0x0  }
0x8f: {  	s3 =	rddreg [dreg:$0x2];
	[bflag:$0x3] =	sbarrier.arrive $0xFFFF;
	s2 =	simm.s32 @!p0 $0x1C01  }
0x90: {  	[timem:s3], [sflag:s2] =	dma.local @!p0 [hbm:s0], s1  }
0x91: {  	s0 =	simm.s32 @!p0 $0x1  }
0x92: {  	_ =	swait.ge @!p0 [sflag:s0], s1  }
0x93: {  	s1 =	ssub.s32 @!p0 $0x0, s1;
	[sflag:s0] =	ssyncset.done @!p0 $0x0  }
0x94: {  	[sflag:s0] =	ssyncadd.s32 @!p0 s1  }
0x95: {  	[bflag:$0x3] =	sbarrier.arrive $0xFFFF  }
0x96: {  	_ =	shalt  }

// kernel: sparse-core-data-format-call.cloned.1.call-start
scs
called_computation_lowered:
.L_overlay_start_0:
0x0: {  	s2 =	sld [smem:$0x3FD9]  }
0x1: {  	s3 =	sld [smem:$0x3FFE];
	_ =	sdelay $0x1  }
0x2: {  	s1 =	srdreg.scid  }
0x3: {  	s0 =	sand.u32 $0x1, s1  }
0x4: {  	s18 =	sshll.u32 s0, $0xA;
	s2 =	sadd.s32 s3, s2  }
0x5: {  	s2 =	sadd.s32 s2, s18  }
0x6: {  	[smem:$0x3FC6] =	sst s2  }
0x7: {  	_ = 	snop  }
0x8: {  	(tm) =	ssettm $0x1  }
0x9: {  	s19 =	sld [smem:$0x3FFB];
	_ =	sdelay $0x3  }
0xa: {  	_ =	strace s19  }
0xb: {  	s2 =	sld [smem:$0x3FFC];
	_ =	sdelay $0x3  }
0xc: {  	_ =	strace s2  }
0xd: {  	s2 =	sld [smem:$0x3FFD];
	_ =	sdelay $0x3  }
0xe: {  	_ =	strace s2  }
0xf: {  	_ =	strace $0x8FFFFFFF  }
0x10: {  	s20 =	sld [smem:$0x3FDB];
	_ =	sdelay $0x1  }
0x11: {  	s21 =	simm.s32 $_scs_section_size  }
0x12: {  	s4 =	simm.s32 $_size__tile_overlayer_lowered;
	s5 =	simm.s32 $_tile_overlayer_lowered  }
0x13: {  	s6 =	simm.s32 $0x1BFF;
	s22 =	sshll.u32 s5, $0x1;
	s3 =	sadd.s32 s21, s20  }
0x14: {  	s23 =	simm.s32 $0x0;
	s4 =	sshll.u32 s4, $0x1;
	s5 =	sadd.s32 s22, s3  }
0x15: {  	[timem:s23], [sflag:s6] =	dma.local [hbm:s5], s4  }
0x16: {  	_ =	swait.ge [sflag:s6], s4  }
0x17: {  	s4 =	ssub.s32 $0x0, s4;
	[sflag:s6] =	ssyncset.done $0x0  }
0x18: {  	[sflag:s6] =	ssyncadd.s32 s4;
	_ =	sdelay $0x1  }
0x19: {  	s24 =	simm.s32 $0x1B8B  }
0x1a: {  	_ =	swait.ge [sflag:s24], $0x1  }
0x1b: {  	[sflag:s24] =	ssyncset.done $0x0  }
0x1c: {  	[sflag:s24] =	ssyncadd.s32 $0xFFFFFFFF  }
0x1d: {  	s4 =	sld [smem:$0x0]  }
0x1e: {  	s5 =	sand.u32 $0xFFFFFFFE, s1  }
0x1f: {  	p0 =	sne.s32 s1, s5  }
0x20: {  	s5 =	sshll.u32 @p0 s5, $0xE  }
0x21: {  	s5 =	sadd.s32 @p0 $0x11B8D, s5;
	s6 =	sshll.u32 @p0 s4, $0x11  }
0x22: {  	s5 =	sor.u32 @p0 s6, s5  }
0x23: {  	[sflag:s5] =	ssyncadd.remote.s32 @p0 $0x1;
	_ =	sdelay $0x1  }
0x24: {  	s5 =	simm.s32 @p0 $0x1B8D  }
0x25: {  	_ =	swait.eq @p0 [sflag:s5], $0x1  }
0x26: {  	[sflag:s5] =	ssyncadd.s32 @p0 $0xFFFFFFFF  }
0x27: {  	s6 =	sshll.u32 @!p0 s1, $0xE  }
0x28: {  	s6 =	sor.u32 @!p0 $0x4000, s6;
	s5 =	simm.s32 @!p0 $0x1B8D  }
0x29: {  	s4 =	sshll.u32 @!p0 s4, $0x11;
	s6 =	sadd.s32 @!p0 $0x11B8D, s6;
	_ =	swait.eq @!p0 [sflag:s5], $0x1  }
0x2a: {  	s4 =	sor.u32 @!p0 s4, s6;
	[sflag:s5] =	ssyncadd.s32 @!p0 $0xFFFFFFFF  }
0x2b: {  	s26 =	simm.s32 $0x1B8E;
	s25 =	sld [smem:$0x3FFE];
	[sflag:s4] =	ssyncadd.remote.s32 @!p0 $0x1  }
0x2c: {  	s27 =	simm.s32 $execute0_lowered;
	[smem:$0x3FD2] =	sst s26  }
0x2d: {  	s5 =	sshll.u32 s27, $0x1;
	_ =	strace $0x80000049;
	[dreg:$0x1] =	wrdreg $0xFFFFFFFF  }
0x2e: {  	s28 =	simm.s32 $_size_execute0_lowered;
	s3 =	sadd.s32 s3, s5;
	[dreg:$0x0] =	wrdreg $0x0  }
0x2f: {  	s5 =	sshll.u32 s28, $0x1;
	[dreg:$0x2] =	wrdreg s3  }
0x30: {  	[dreg:$0x3] =	wrdreg s5  }
0x31: {  	[dreg:$0x4] =	wrdreg $0xC0  }
0x32: {  	_ =	task [dreg:s23], $0x5FFFF  }
0x33: {  	[dreg:$0x1] =	wrdreg $0xFFFFFFFF  }
0x34: {  	[dreg:$0x0] =	wrdreg $0x60  }
0x35: {  	[dreg:$0x2] =	wrdreg s25  }
0x36: {  	[dreg:$0x3] =	wrdreg $0x9  }
0x37: {  	_ =	task.clear_ibuf [dreg:s23], $0x4FFFF;
	_ =	strace $0x90000049  }
0x38: {  	s29 =	simm.s32 $0x9;
	_ =	strace $0x8000004B  }
0x39: {  	_ =	swait.ge [sflag:s29], $0x1  }
0x3a: {  	[sflag:s29] =	ssyncadd.s32 $0xFFFFFFFF  }
0x3b: {  	_ =	strace $0x9000004B  }
0x3c: {  	_ =	sfence  }
0x3d: {  	s30 =	sld [smem:$0x0];
	_ =	sdelay $0x2  }
0x3e: {  	s31 =	sshll.u32 s1, $0xD;
	s1 =	sshrl.u32 s1, $0x2  }
0x3f: {  	s4 =	sand.u32 $0x4000, s31;
	s1 =	sadd.s32 s1, s30  }
0x40: {  	s0 =	sor.u32 s4, s0;
	s1 =	sshll.u32 s1, $0x11  }
0x41: {  	s0 =	sor.u32 s1, s0  }
0x42: {  	s0 =	sadd.s32 $0x8F2B, s0  }
0x43: {  	[sflag:s0] =	ssyncadd.remote.s32 $0x1  }
0x44: {  	_ =	sfence.sel $0xFFFF  }
0x45: {  	[dreg:$0x0] =	wrdreg $0xFFFFFFFF;
	(pc) =	sbr.abs _section_cstart, $3  }
0x46: {  	[dreg:$0x1] =	wrdreg $0xFFFFFFFF  }
0x47: {  	_ =	task.clear_ibuf [dreg:s23], $0x2FFFF;
	_ =	strace $0x9FFFFFFF  }
0x48: {  	(tm) =	ssettm $0x7FFFFFFF  }
0x49: {  	_ =	shalt  }
tec
execute0_lowered:
.L_overlay_start_1:
0x0: {  	(tag) =	ssettag $0x1  }
0x1: {  	s0 =	rddreg [dreg:$0x0]  }
0x2: {  	s6 =	stileid.u32;
	s1 =	srdreg.scid  }
0x3: {  	_ =	strace $0x8000004A;
	s5 =	simm.s32 $0x1;
	s31 =	simm.s32 $0x2  }
0x4: {  	s18 =	simm.s32 $0x0;
	s9 =	simm.s32 $0x80;
	s10 =	simm.s32 $0x200  }
0x5: {  	s11 =	simm.s32 $0x0;
	s17 =	simm.s32 $0x0;
	s12 =	simm.s32 $0x0  }
0x6: {  	s13 =	simm.s32 $0x0;
	s3 =	sshll.u32 s6, $0x5;
	s1 =	sshll.u32 s1, $0x9  }
.Ltmp0:
0x7: {  	s16 =	simm.s32 $0x0;
	s1 =	sor.u32 s3, s1;
	(pc) =	sbr.rel .LBB1_1-.Ltmp0, $4  }
0x8: {  	s25 =	simm.s32 $0x0;
	s2 =	sadd.s32 $0x3D1800, s0;
	s4 =	sand.u32 $0x380, s1  }
0x9: {  	[sflag:s5] =	ssyncpa.u1 $0x0;
	s6 =	sand.u32 $0x3, s6;
	s1 =	ssub.s32 $0x7A00, s4  }
0xa: {  	s3 =	sadd.s32 $0x5B9E00, s0;
	[sflag:s31] =	ssyncpa.u1 $0x0;
	s7 =	sshrl.u32 s1, $0xA  }
0xb: {  	s15 =	smov.u32 s6;
	s14 =	smov.u32 s4;
	s8 =	sadd.s32 $0x2, s7  }
.LBB1_11:
0xc: {  	p0 =	sgt.s32 s12, $0x7992;
	s0 =	smov.u32 s12  }
0xd: {  	s0 =	simm.s32 @!p0 $0x7992  }
0xe: {  	s0 =	sadd.s32 s19, s0  }
0xf: {  	s1 =	sadd.s32 $0xFFFF866E, s0  }
0x10: {  	s0 =	ssub.s32 $0x7A12, s0;
	p0 =	sgt.s32 s1, $0x7F  }
0x11: {  	s29 =	sshll.u32 s13, $0x4;
	s0 =	simm.s32 @p0 $0x0  }
0x12: {  	s1 =	sand.u32 $0x30, s29;
	s0 =	smul.u32 s0, s20  }
0x13: {  	s30 =	sshll.u32 s12, $0x6;
	s1 =	sadd.s32 s3, s1  }
0x14: {  	s31 =	sor.u32 $0x8000, s21;
	s1 =	sadd.s32 s30, s1;
	s0 =	sand.u32 $0x3FFFFF80, s0  }
0x15: {  	[hbm4b:s1+s9] =	stream.strided.scatter [tilespmem:s31], [sflag:$0x2], s0, s10, s9, $0x38;
	[tilespmem:$0x10000] =	vst v63  }
.LBB1_12:
0x16: {  	p0 =	slt.u32 s16, $0x2  }
0x17: {  	p1 =	sgt.s32 @!p0 s18, $0x7992  }
0x18: {  	s0 =	smov.u32 s18;
	s1 =	sshra.s32 @!p0 s18, $0x1F;
	p1 =	por !p1, p0  }
0x19: {  	s19 =	sshra.s32 @!p0 s17, $0x1F;
	s0 =	simm.s32 @p1 $0x7992;
	p1 =	sgt.s32 @!p0 s17, $0x3  }
0x1a: {  	s1 =	sand.u32 @!p0 s1, s18;
	s18 =	smov.u32 s17;
	p1 =	por !p1, p0  }
0x1b: {  	s0 =	ssub.s32 @!p0 s0, s1;
	s1 =	sand.u32 @!p0 s19, s17;
	s18 =	simm.s32 @p1 $0x3  }
0x1c: {  	s1 =	ssub.s32 @!p0 s18, s1  }
0x1d: {  	s17 =	sadd.s32 @!p0 $0xFFFF866E, s0;
	s0 =	ssub.s32 @!p0 $0x7A12, s0;
	s1 =	sadd.s32 @!p0 $0xFFFFFFFD, s1  }
0x1e: {  	p1 =	sgt.s32 @!p0 s17, $0x7F;
	p2 =	sgt.s32 @!p0 s1, $0x0;
	s1 =	sshll.u32 @!p0 s1, $0x7  }
0x1f: {  	p1 =	por !p1, p0;
	s1 =	ssub.s32 @!p0 $0x80, s1;
	p2 =	por !p2, p0  }
0x20: {  	s0 =	simm.s32 @!p1 $0x0;
	s1 =	simm.s32 @!p2 $0x0  }
0x21: {  	s0 =	smul.u32 @!p0 s0, s1;
	s1 =	sadd.s32 $0x400, s14  }
0x22: {  	s20 =	smov.u32 s15;
	s17 =	sadd.s32 $0x4, s15;
	p1 =	sgt.s32 s1, $0x7A11  }
0x23: {  	s20 =	smov.u32 @p1 s17  }
0x24: {  	s1 =	smov.u32 @p1 s4;
	p1 =	sgt.s32 s20, $0x3  }
0x25: {  	s20 =	smov.u32 @p1 s6;
	p1 =	sne.s32 s16, s8  }
.Ltmp1:
0x26: {  	s11 =	sadd.s32 $0x4000, s11;
	s19 =	simm.s32 @!p0 $0x2;
	(pc) =	sbr.rel @!p1 .LBB1_13-.Ltmp1, $4  }
0x27: {  	s18 =	smov.u32 s12;
	s12 =	smov.u32 s14;
	s0 =	sand.u32 @!p0 $0x3FFFFF80, s0  }
0x28: {  	s17 =	smov.u32 s13;
	s13 =	smov.u32 s15;
	_ =	swait.ge @!p0 [sflag:s19], s0  }
0x29: {  	s0 =	ssub.s32 @!p0 $0x0, s0;
	s14 =	smov.u32 s1;
	[sflag:s19] =	ssyncset.done @!p0 $0x0  }
0x2a: {  	s16 =	sadd.s32 $0x1, s16;
	[sflag:s19] =	ssyncadd.s32 @!p0 s0;
	s15 =	smov.u32 s20  }
.LBB1_1:
0x2b: {  	p0 =	sgt.u32 s16, s7;
	s1 =	smov.u32 s15  }
0x2c: {  	s21 =	smov.u32 s14;
	p1 =	sgt.s32 @!p0 s15, $0x3;
	s0 =	sand.u32 @!p0 $0x1FFFFFF, s14  }
0x2d: {  	s20 =	sshra.s32 @!p0 s15, $0x1F;
	s22 =	sshra.s32 @!p0 s14, $0x1F;
	p1 =	por !p1, p0  }
0x2e: {  	s19 =	smulhi.u32 @!p0 $0x10C6249, s0;
	s1 =	simm.s32 @p1 $0x3;
	p1 =	sgt.s32 @!p0 s14, $0x7998  }
0x2f: {  	s20 =	sand.u32 @!p0 s20, s15;
	s22 =	sand.u32 @!p0 s22, s14;
	p1 =	por !p1, p0  }
0x30: {  	s1 =	ssub.s32 @!p0 s1, s20;
	s19 =	sshrl.u32 @!p0 s19, $0x7;
	s21 =	simm.s32 @p1 $0x7998  }
0x31: {  	s1 =	sadd.s32 @!p0 $0xFFFFFFFD, s1;
	s19 =	smul.u32 @!p0 $0x7A18, s19;
	s20 =	ssub.s32 @!p0 s21, s22  }
0x32: {  	p1 =	sgt.s32 @!p0 s1, $0x0;
	s1 =	sshll.u32 @!p0 s1, $0x7;
	s21 =	sadd.s32 @!p0 $0xFFFF8668, s20  }
0x33: {  	s22 =	smul.u32 @!p0 $0x7A180, s15;
	s20 =	ssub.s32 @!p0 $0x7A18, s20;
	p2 =	sgt.s32 @!p0 s21, $0x7F  }
0x34: {  	s1 =	ssub.s32 @!p0 $0x80, s1;
	p1 =	por !p1, p0;
	p2 =	por !p2, p0  }
0x35: {  	s21 =	sxor.u32 @!p0 $0xFFFFFFFF, s16;
	s1 =	simm.s32 @!p1 $0x0;
	s20 =	simm.s32 @!p2 $0x0  }
0x36: {  	s0 =	ssub.s32 @!p0 s0, s19;
	s19 =	sshll.u32 @!p0 s21, $0xE;
	s1 =	smul.u32 @!p0 s20, s1  }
0x37: {  	s0 =	sshll.u32 @!p0 s0, $0x4;
	s19 =	sand.u32 @!p0 $0x4000, s19;
	s20 =	sadd.s32 @!p0 s2, s22  }
0x38: {  	s0 =	sadd.s32 @!p0 s0, s20;
	s20 =	simm.s32 @!p0 $0x0;
	s1 =	sand.u32 @!p0 $0x3FFFFF80, s1  }
0x39: {  	[tilespmem:s19], [sflag:$0x1] =	stream.linear.gather @!p0 [hbm4b:s0+s20], s1, $0x38;
	[tilespmem:$0x10000] =	vst v63  }
0x3a: {  	p0 =	seq.s32 s16, $0x0  }
0x3b: {  	p1 =	sge.u32 @!p0 s16, s8  }
0x3c: {  	p0 =	por p0, p1  }
.Ltmp2:
0x3d: {  	_ = 	snop;
	(pc) =	sbr.rel @p0 .LBB1_12-.Ltmp2, $1  }
0x3e: {  	_ =	sdelay $0x3  }
0x3f: {  	p0 =	sgt.s32 s13, $0x3;
	s0 =	smov.u32 s13;
	s1 =	sshra.s32 s13, $0x1F  }
0x40: {  	s19 =	ssub.s32 $0x0, s12;
	s0 =	simm.s32 @!p0 $0x3;
	s1 =	sand.u32 s1, s13  }
0x41: {  	s20 =	sshra.s32 s12, $0x1F;
	s21 =	smov.u32 s12;
	s0 =	ssub.s32 s0, s1  }
0x42: {  	p0 =	sgt.s32 s12, $0x7998;
	s19 =	sand.u32 s19, s20;
	s0 =	sadd.s32 $0xFFFFFFFD, s0  }
0x43: {  	s21 =	simm.s32 @!p0 $0x7998;
	p0 =	sgt.s32 s0, $0x0;
	s0 =	sshll.u32 s0, $0x7  }
0x44: {  	s28 =	sadd.s32 s19, s21;
	s20 =	ssub.s32 $0x80, s0;
	s0 =	sadd.s32 $0x1, s13  }
0x45: {  	s21 =	sadd.s32 $0x80, s12;
	s20 =	simm.s32 @p0 $0x0;
	p0 =	slt.s32 s0, $0x4  }
0x46: {  	s29 =	sadd.s32 $0xFFFF8668, s28;
	s0 =	simm.s32 @!p0 $0x4;
	p0 =	slt.s32 s21, $0x7A12  }
0x47: {  	s1 =	ssub.s32 $0x7A18, s28;
	s22 =	ssub.s32 s0, s13;
	s21 =	simm.s32 @!p0 $0x7A12  }
0x48: {  	p1 =	sgt.s32 s29, $0x7F;
	s23 =	ssub.s32 s21, s12;
	p0 =	slt.s32 s22, $0x1  }
0x49: {  	s1 =	simm.s32 @p1 $0x0;
	p1 =	slt.s32 @!p0 s23, $0x1  }
0x4a: {  	s1 =	smul.u32 s1, s20;
	p0 =	por p0, p1  }
.Ltmp3:
0x4b: {  	_ = 	snop;
	(pc) =	sbr.rel @p0 .LBB1_11-.Ltmp3, $4  }
0x4c: {  	s30 =	sand.u32 $0x3FFFFF80, s1  }
0x4d: {  	_ =	swait.ge [sflag:s5], s30  }
0x4e: {  	s31 =	sshll.u32 s16, $0xE;
	s1 =	ssub.s32 $0x0, s30;
	[sflag:s5] =	ssyncset.done $0x0  }
0x4f: {  	s21 =	sand.u32 $0x4000, s31;
	[sflag:s5] =	ssyncadd.s32 s1  }
0x50: {  	s0 =	sshll.u32 s11, $0x2  }
0x51: {  	s0 =	sand.u32 $0x10000, s0  }
0x52: {  	s0 =	sshrl.u32 s0, $0x2  }
0x53: {  	s26 =	simm.s32 $0x0;
	s27 =	simm.s32 $0x0;
	s24 =	sadd.s32 $0x8040, s0  }
.LBB1_4:
0x54: {  	s0 =	sshll.u32 s27, $0x10  }
0x55: {  	s0 =	sshra.s32 s0, $0x2  }
0x56: {  	p1 =	sne.s32 s23, $0x1;
	s0 =	sadd.s32 s0, s21  }
.Ltmp4:
0x57: {  	v0 =	vmov s0;
	(pc) =	sbr.rel @!p1 .LBB1_5-.Ltmp4, $3  }
0x58: {  	_ =	sdelay $0x1  }
0x59: {  	s1 =	sand.u32 $0x180, s26;
	s30 =	sand.u32 $0x3F80, s25  }
0x5a: {  	p0 =	por $0x0, $0x0;
	s28 =	sadd.s32 s1, s24;
	s1 =	sadd.s32 $0xFFFFFFFF, s23  }
0x5b: {  	_ =	sdelay $0x3  }
0x5c: {  	v6 =	vld.idx.msk [tilespmem:v0+s30+$0x70 ss:$0x1], $0xffff  }
0x5d: {  	v7 =	vld.idx.msk [tilespmem:v0+s30+$0x0 ss:$0x1], $0xffff  }
0x5e: {  	v1 =	vld.idx.msk [tilespmem:v0+s30+$0x10 ss:$0x1], $0xffff;
	p1 =	sne.s32 s1, $0x1  }
.Ltmp5:
0x5f: {  	v2 =	vld.idx.msk [tilespmem:v0+s30+$0x20 ss:$0x1], $0xffff;
	(pc) =	sbr.rel @!p1 .LBB1_7-.Ltmp5, $4  }
0x60: {  	v3 =	vld.idx.msk [tilespmem:v0+s30+$0x30 ss:$0x1], $0xffff  }
0x61: {  	v4 =	vld.idx.msk [tilespmem:v0+s30+$0x40 ss:$0x1], $0xffff  }
0x62: {  	v5 =	vld.idx.msk [tilespmem:v0+s30+$0x50 ss:$0x1], $0xffff;
	s0 =	simm.s32 $0x80;
	s1 =	sadd.s32 $0xFFFFFFFF, s1;
	[tilespmem:s28+$0x30] =	vst v6  }
0x63: {  	p0 =	por $0x1, $0x1;
	s29 =	smov.u32 s28;
	s31 =	sand.u32 $0x3F80, s0;
	[tilespmem:s28+$0xFFFFFFC0] =	vst v7;
	v6 =	vld.idx.msk [tilespmem:v0+s30+$0x60 ss:$0x1], $0xffff  }
.LBB1_8:
0x64: {  	p1 =	sne.s32 s1, $0x1;
	v7 =	vld.idx.msk [tilespmem:v0+s31+$0x70 ss:$0x1], $0xffff;
	[tilespmem:s29+$0xFFFFFFD0] =	vst v1  }
0x65: {  	v8 =	vld.idx.msk [tilespmem:v0+s31+$0x0 ss:$0x1], $0xffff;
	[tilespmem:s29+$0xFFFFFFE0] =	vst v2  }
0x66: {  	v1 =	vld.idx.msk [tilespmem:v0+s31+$0x10 ss:$0x1], $0xffff;
	[tilespmem:s29+$0xFFFFFFF0] =	vst v3  }
.Ltmp6:
0x67: {  	v2 =	vld.idx.msk [tilespmem:v0+s31+$0x20 ss:$0x1], $0xffff;
	[tilespmem:s29+$0x0] =	vst v4;
	(pc) =	sbr.rel @p1 .LBB1_8-.Ltmp6, $4  }
0x68: {  	v3 =	vld.idx.msk [tilespmem:v0+s31+$0x30 ss:$0x1], $0xffff;
	[tilespmem:s29+$0x10] =	vst v5  }
0x69: {  	v4 =	vld.idx.msk [tilespmem:v0+s31+$0x40 ss:$0x1], $0xffff;
	[tilespmem:s29+$0x20] =	vst v6;
	s29 =	sadd.s32 $0x80, s29  }
0x6a: {  	s0 =	sadd.s32 $0x80, s0;
	v5 =	vld.idx.msk [tilespmem:v0+s31+$0x50 ss:$0x1], $0xffff;
	[tilespmem:s29+$0x30] =	vst v7  }
0x6b: {  	s1 =	sadd.s32 $0xFFFFFFFF, s1;
	[tilespmem:s29+$0xFFFFFFC0] =	vst v8;
	v6 =	vld.idx.msk [tilespmem:v0+s31+$0x60 ss:$0x1], $0xffff;
	s31 =	sand.u32 $0x3F80, s0  }
0x6c: {  	s30 =	smov.u32 s31  }
.LBB1_10:
0x6d: {  	_ =	sdelay $0x2  }
0x6e: {  	[tilespmem:s29+$0xFFFFFFD0] =	vst @p0 v1  }
0x6f: {  	v56 =	vld.idx.msk [tilespmem:v0+s30+$0x70 ss:$0x1], $0xffff;
	[tilespmem:s29+$0xFFFFFFE0] =	vst @p0 v2  }
0x70: {  	v57 =	vld.idx.msk [tilespmem:v0+s30+$0x0 ss:$0x1], $0xffff;
	[tilespmem:s29+$0xFFFFFFF0] =	vst @p0 v3  }
0x71: {  	v58 =	vld.idx.msk [tilespmem:v0+s30+$0x10 ss:$0x1], $0xffff;
	[tilespmem:s29+$0x0] =	vst @p0 v4  }
0x72: {  	v59 =	vld.idx.msk [tilespmem:v0+s30+$0x20 ss:$0x1], $0xffff;
	s0 =	sadd.s32 @p0 $0x80, s29;
	[tilespmem:s29+$0x10] =	vst @p0 v5  }
0x73: {  	v60 =	vld.idx.msk [tilespmem:v0+s30+$0x30 ss:$0x1], $0xffff;
	s28 =	smov.u32 @p0 s0;
	[tilespmem:s29+$0x20] =	vst @p0 v6  }
0x74: {  	v61 =	vld.idx.msk [tilespmem:v0+s30+$0x40 ss:$0x1], $0xffff;
	[tilespmem:s28+$0x30] =	vst v56  }
0x75: {  	v62 =	vld.idx.msk [tilespmem:v0+s30+$0x50 ss:$0x1], $0xffff;
	s27 =	sadd.s32 $0x1, s27;
	[tilespmem:s28+$0xFFFFFFC0] =	vst v57  }
0x76: {  	v63 =	vld.idx.msk [tilespmem:v0+s30+$0x60 ss:$0x1], $0xffff;
	p0 =	sne.s32 s27, s22;
	[tilespmem:s28+$0xFFFFFFD0] =	vst v58  }
.Ltmp7:
0x77: {  	[tilespmem:s28+$0xFFFFFFE0] =	vst v59;
	(pc) =	sbr.rel @p0 .LBB1_4-.Ltmp7, $4  }
.Ltmp8:
0x78: {  	[tilespmem:s28+$0xFFFFFFF0] =	vst v60;
	(pc) =	sbr.rel @!p0 .LBB1_11-.Ltmp8, $4  }
0x79: {  	[tilespmem:s28+$0x0] =	vst v61  }
0x7a: {  	[tilespmem:s28+$0x10] =	vst v62  }
0x7b: {  	s26 =	sadd.s32 $0x80, s26;
	[tilespmem:s28+$0x20] =	vst v63  }
0x7c: {  	_ = 	snop  }
.LBB1_5:
.Ltmp9:
0x7d: {  	(pc) =	sbr.rel .LBB1_10-.Ltmp9, $2  }
0x7e: {  	_ =	sdelay $0x2  }
0x7f: {  	s29 =	smov.u32 s28  }
.LBB1_7:
.Ltmp10:
0x80: {  	(pc) =	sbr.rel .LBB1_10-.Ltmp10, $2  }
0x81: {  	_ =	sdelay $0x2  }
0x82: {  	s30 =	smov.u32 s31;
	s29 =	smov.u32 s28  }
.LBB1_13:
0x83: {  	_ =	sfence.sel $0x180000  }
0x84: {  	s0 =	simm.s32 $0x1;
	[bflag:$0x0] =	sbarrier.arrive $0xFFFF  }
0x85: {  	s30 =	simm.s32 $0x2;
	[sflag:s0] =	ssyncpa.u1 $0x1  }
0x86: {  	[sflag:s30] =	ssyncpa.u1 $0x1  }
0x87: {  	_ =	strace $0x9000004A  }
0x88: {  	s31 =	stileid.u32;
	[bflag:$0x2] =	sbarrier.arrive $0xFFFF  }
0x89: {  	p0 =	sne.s32 s31, $0x0;
	s0 =	rddreg [dreg:$0x1]  }
0x8a: {  	s0 =	sadd.s32 @!p0 $0x100000, s0  }
0x8b: {  	[sflag:s0] =	ssyncadd.tile.s32 @!p0 $0x1;
	_ =	shalt  }
.Lfunc_end1:
_tile_overlayer_lowered:
.L_overlay_start_2:
0x8c: {  	(tag) =	ssettag $0x2  }
0x8d: {  	s0 =	rddreg [dreg:$0x0];
	s2 =	stileid.u32  }
0x8e: {  	s1 =	rddreg [dreg:$0x1];
	p0 =	sne.s32 s2, $0x0  }
0x8f: {  	s3 =	rddreg [dreg:$0x2];
	[bflag:$0x3] =	sbarrier.arrive $0xFFFF;
	s2 =	simm.s32 @!p0 $0x1C01  }
0x90: {  	[timem:s3], [sflag:s2] =	dma.local @!p0 [hbm:s0], s1  }
0x91: {  	s0 =	simm.s32 @!p0 $0x1  }
0x92: {  	_ =	swait.ge @!p0 [sflag:s0], s1  }
0x93: {  	s1 =	ssub.s32 @!p0 $0x0, s1;
	[sflag:s0] =	ssyncset.done @!p0 $0x0  }
0x94: {  	[sflag:s0] =	ssyncadd.s32 @!p0 s1  }
0x95: {  	[bflag:$0x3] =	sbarrier.arrive $0xFFFF  }
0x96: {  	_ =	shalt  }

</sc_bundles>
